<compile_context>
chip_gen: v7x
topology: tpu7x:2x2x1
jax: 0.10.2.dev20260603
libtpu: 0.0.44.dev20260713+nightly
codegen_flags: <defaults>
</compile_context>

<pallas_src>
import functools

import jax
import jax.numpy as jnp
from jax import lax
from jax.experimental import pallas as pl
from jax.experimental.pallas import tpu as pltpu
from jax.experimental.pallas import tpu_sc as plsc

WINDOW = 10
BATCH = 1024
SEQ = 200
DIM = 128
OUT = SEQ * DIM // WINDOW
LANES = 16

NUM_CORES = 2
NUM_SUBCORES = 16
NUM_WORKERS = NUM_CORES * NUM_SUBCORES
SENT_PER_TILE = BATCH // NUM_WORKERS

_mesh = plsc.VectorSubcoreMesh(core_axis_name="c", subcore_axis_name="s")


def _gather_sent(table_hbm, tok_v, rows_ref, sem, s):
  q = SEQ // 4
  out = []
  for k in range(4):
    out.append(pltpu.make_async_copy(
        table_hbm.at[tok_v.at[4 * s + k]], rows_ref.at[pl.ds(k * q, q)], sem))
  return out


UNROLL = 4


def _pool(rows_ref, out_ref):
  tenl = WINDOW * lax.broadcasted_iota(jnp.int32, (LANES,), 0)
  zero = jnp.zeros((LANES,), jnp.int32)

  @plsc.parallel_loop(0, OUT // LANES, unroll=UNROLL)
  def body(t):
    base = t * (LANES * WINDOW)

    def ld(j):
      return plsc.load_gather(rows_ref, [zero, tenl + (base + j)])

    a = (ld(0) + ld(1)) + (ld(2) + ld(3))
    b = (ld(4) + ld(5)) + (ld(6) + ld(7))
    c = ld(8) + ld(9)
    out_ref[pl.ds(t * LANES, LANES)] = (a + (b + c)) * jnp.float32(
        1.0 / WINDOW)


@functools.partial(
    pl.kernel,
    out_type=jax.ShapeDtypeStruct((BATCH, OUT), jnp.float32),
    mesh=_mesh,
    compiler_params=pltpu.CompilerParams(needs_layout_passes=False),
    scratch_types=[
        pltpu.VMEM((4 * SENT_PER_TILE, SEQ // 4), jnp.int32),
        pltpu.VMEM((SEQ, DIM), jnp.float32),
        pltpu.VMEM((SEQ, DIM), jnp.float32),
        pltpu.VMEM((SEQ, DIM), jnp.float32),
        pltpu.VMEM((SEQ, DIM), jnp.float32),
        pltpu.VMEM((OUT,), jnp.float32),
        pltpu.VMEM((OUT,), jnp.float32),
        pltpu.SemaphoreType.DMA,
        pltpu.SemaphoreType.DMA,
        pltpu.SemaphoreType.DMA,
        pltpu.SemaphoreType.DMA,
        pltpu.SemaphoreType.DMA,
        pltpu.SemaphoreType.DMA,
    ],
)
def _sc_encode(tok_hbm, table_hbm, out_hbm, tok_v, rows0, rows1, rows2, rows3,
               out0, out1, sem0, sem1, sem2, sem3, osem0, osem1):
  wid = lax.axis_index("s") * NUM_CORES + lax.axis_index("c")
  sent_base = wid * SENT_PER_TILE

  pltpu.sync_copy(tok_hbm.at[pl.ds(wid * 4 * SENT_PER_TILE, 4 * SENT_PER_TILE)],
                  tok_v)

  NBUF = 4
  LOOKAHEAD = NBUF - 1
  bufs = (rows0, rows1, rows2, rows3)
  sems = (sem0, sem1, sem2, sem3)
  outs = (out0, out1)
  osems = (osem0, osem1)

  for s0 in range(LOOKAHEAD):
    for c in _gather_sent(table_hbm, tok_v, bufs[s0], sems[s0], s0):
      c.start()

  def step(s4, carry):
    for r in range(NBUF):
      s = NBUF * s4 + r
      ob = r % 2
      for c in _gather_sent(table_hbm, tok_v, bufs[r], sems[r], s):
        c.wait()
      @pl.when(s + LOOKAHEAD < SENT_PER_TILE)
      def _():
        nr = (r + LOOKAHEAD) % NBUF
        for c in _gather_sent(table_hbm, tok_v, bufs[nr], sems[nr],
                              s + LOOKAHEAD):
          c.start()
      @pl.when(s >= 2)
      def _():
        pltpu.make_async_copy(
            outs[ob], out_hbm.at[sent_base + s - 2], osems[ob]).wait()
      _pool(bufs[r], outs[ob])
      pltpu.make_async_copy(outs[ob], out_hbm.at[sent_base + s],
                            osems[ob]).start()
    return carry

  lax.fori_loop(0, SENT_PER_TILE // NBUF, step, 0)
  for b in range(2):
    pltpu.make_async_copy(
        outs[b], out_hbm.at[sent_base + SENT_PER_TILE - 2 + b],
        osems[b]).wait()


def kernel(tokens, table):
  tok2 = tokens.astype(jnp.int32).reshape(4 * BATCH, SEQ // 4)
  return _sc_encode(tok2, table)

# --- scband reference (transcript-rebuilt; emitter-appended) ---
"""Pipeline reference for scband-sentence-encoder-vector-45217415693087 (READ-ONLY COPY).

The authoritative reference and input builder live on the scoring server;
editing this copy changes nothing except your own understanding.
"""

import jax, jax.numpy as jnp
import numpy as np

WINDOW_SIZE = 10
VOCAB = 100000
EMBED_DIM = 128
BATCH = 1024
SEQ_LEN = 200


def setup_inputs(seed: int = 0) -> dict:
    key = jax.random.key(seed)
    k_tok, k_tab = jax.random.split(key)
    tokens = jax.random.randint(k_tok, (BATCH, SEQ_LEN), 0, VOCAB)
    # Learned parameter standing in for the word2vec / sentence-transformer
    # encoder: a per-token embedding table (the module's per-word encode+cache
    # is semantically a vocabulary -> vector lookup).
    table = jax.random.normal(k_tab, (VOCAB, EMBED_DIM), dtype=jnp.float32)
    return {"tokens": tokens, "table": table}


def reference(tokens, table):
    # Per-word embedding lookup (word2vec_model.encode per word, with cache
    # == pure gather from a vocabulary table).
    emb = jnp.take(table, tokens, axis=0)            # [B, L, D]
    # temp_sentence_list.extend(vec): concatenate word vectors along the
    # sentence axis -> [B, L*D]
    flat = emb.reshape(emb.shape[0], -1)
    # nn.AvgPool1d(window_size, stride=window_size) on a 2D tensor pools the
    # last dimension in non-overlapping windows.
    B, W = flat.shape
    pooled = flat.reshape(B, W // WINDOW_SIZE, WINDOW_SIZE).mean(axis=-1)
    return pooled

if __name__ == "__main__":
    import jax
    _d = setup_inputs()
    print(jax.jit(kernel)(*tuple(_d.values())))

</pallas_src>

<mosaic_0001>
#map = affine_map<(d0, d1) -> (0, 0)>
module attributes {stable_mosaic.version = 14 : i64} {
  func.func @_sc_encode(%arg0: i32, %arg1: i32, %arg2: memref<4096x50xi32, #tpu.memory_space<hbm>>, %arg3: memref<100000x128xf32, #tpu.memory_space<hbm>>, %arg4: memref<1024x2560xf32, #tpu.memory_space<hbm>>, %arg5: memref<128x50xi32, #tpu.memory_space<vmem>>, %arg6: memref<200x128xf32, #tpu.memory_space<vmem>>, %arg7: memref<200x128xf32, #tpu.memory_space<vmem>>, %arg8: memref<200x128xf32, #tpu.memory_space<vmem>>, %arg9: memref<200x128xf32, #tpu.memory_space<vmem>>, %arg10: memref<2560xf32, #tpu.memory_space<vmem>>, %arg11: memref<2560xf32, #tpu.memory_space<vmem>>, %arg12: memref<!tpu.dma_semaphore, #tpu.memory_space<semaphore_mem>>, %arg13: memref<!tpu.dma_semaphore, #tpu.memory_space<semaphore_mem>>, %arg14: memref<!tpu.dma_semaphore, #tpu.memory_space<semaphore_mem>>, %arg15: memref<!tpu.dma_semaphore, #tpu.memory_space<semaphore_mem>>, %arg16: memref<!tpu.dma_semaphore, #tpu.memory_space<semaphore_mem>>, %arg17: memref<!tpu.dma_semaphore, #tpu.memory_space<semaphore_mem>>) attributes {dimension_semantics = [#tpu.dimension_semantics<core_parallel>, #tpu.dimension_semantics<subcore_parallel>], iteration_bounds = array<i64: 2, 16>, scalar_prefetch = 0 : i64, scratch_operands = 13 : i64, tpu.core_type = #tpu.core_type<sc_vector_subcore>, window_params = [{transform_indices = #map}, {transform_indices = #map}, {transform_indices = #map}]} {
    %mul3A = arith.constant 2 : i32
    %mul3A_0 = arith.muli %arg1, %mul3A : i32
    %add3A = arith.addi %mul3A_0, %arg0 : i32
    %mul3A_1 = arith.constant 32 : i32
    %mul3A_2 = arith.muli %add3A, %mul3A_1 : i32
    %mul3A_3 = arith.constant 4 : i32
    %mul3A_4 = arith.muli %add3A, %mul3A_3 : i32
    %mul3A_5 = arith.constant 32 : i32
    %mul3A_6 = arith.muli %mul3A_4, %mul3A_5 : i32
    "tpu.region"() ({
      %run_scoped3A = tpu.sem_alloc : memref<!tpu.dma_semaphore, #tpu.memory_space<semaphore_mem>>
      %dma_start3A_153 = arith.constant 0 : i32
      %dma_start3A_154 = tpu.memref_slice %arg2[%mul3A_6, %dma_start3A_153] : memref<4096x50xi32, #tpu.memory_space<hbm>> -> memref<128x50xi32, #tpu.memory_space<hbm>>
      %dma_start3A_155 = arith.constant 0 : i32
      %dma_start3A_156 = tpu.memref_slice %arg2[%mul3A_6, %dma_start3A_155] : memref<4096x50xi32, #tpu.memory_space<hbm>> -> memref<128x50xi32, #tpu.memory_space<hbm>>
      tpu.enqueue_dma source(%dma_start3A_156 : memref<128x50xi32, #tpu.memory_space<hbm>>) target(%arg5 : memref<128x50xi32, #tpu.memory_space<vmem>>) target_semaphore(%run_scoped3A : memref<!tpu.dma_semaphore, #tpu.memory_space<semaphore_mem>>)
      %dma_wait3A_157 = arith.constant 0 : i32
      %dma_wait3A_158 = tpu.memref_slice %arg2[%mul3A_6, %dma_wait3A_157] : memref<4096x50xi32, #tpu.memory_space<hbm>> -> memref<128x50xi32, #tpu.memory_space<hbm>>
      %dma_wait3A_159 = arith.constant 0 : i32
      %dma_wait3A_160 = tpu.memref_slice %arg2[%mul3A_6, %dma_wait3A_159] : memref<4096x50xi32, #tpu.memory_space<hbm>> -> memref<128x50xi32, #tpu.memory_space<hbm>>
      tpu.wait_dma2 semaphore(%run_scoped3A : memref<!tpu.dma_semaphore, #tpu.memory_space<semaphore_mem>>) src(%dma_wait3A_160 : memref<128x50xi32, #tpu.memory_space<hbm>>) dst(%arg5 : memref<128x50xi32, #tpu.memory_space<vmem>>)
      tpu.yield
    }) : () -> ()
    %dma_start3A = arith.constant 0 : i32
    %dma_start3A_7 = arith.constant 0 : i32
    %dma_start3A_8 = arith.constant 0 : i32
    %dma_start3A_9 = tpu.memref_slice %arg6[%dma_start3A_7, %dma_start3A_8] : memref<200x128xf32, #tpu.memory_space<vmem>> -> memref<50x128xf32, #tpu.memory_space<vmem>>
    %dma_start3A_10 = arith.constant 0 : i32
    %dma_start3A_11 = tpu.memref_slice %arg5[%dma_start3A, %dma_start3A_10] : memref<128x50xi32, #tpu.memory_space<vmem>> -> memref<1x50xi32, #tpu.memory_space<vmem>>
    %dma_start3A_12 = tpu.memref_squeeze %dma_start3A_11 : memref<1x50xi32, #tpu.memory_space<vmem>> -> memref<50xi32, #tpu.memory_space<vmem>>
    %dma_start3A_13 = arith.constant 0 : i32
    %dma_start3A_14 = arith.constant 0 : i32
    %dma_start3A_15 = tpu.memref_slice %arg3[%dma_start3A_13, %dma_start3A_14] : memref<100000x128xf32, #tpu.memory_space<hbm>> -> memref<100000x128xf32, #tpu.memory_space<hbm>>
    tpu.enqueue_indirect_dma source(%dma_start3A_15 : memref<100000x128xf32, #tpu.memory_space<hbm>>) target(%dma_start3A_9 : memref<50x128xf32, #tpu.memory_space<vmem>>) offsets(%dma_start3A_12 : memref<50xi32, #tpu.memory_space<vmem>>) semaphore(%arg12 : memref<!tpu.dma_semaphore, #tpu.memory_space<semaphore_mem>>)
    %dma_start3A_16 = arith.constant 1 : i32
    %dma_start3A_17 = arith.constant 50 : i32
    %dma_start3A_18 = arith.constant 0 : i32
    %dma_start3A_19 = tpu.memref_slice %arg6[%dma_start3A_17, %dma_start3A_18] : memref<200x128xf32, #tpu.memory_space<vmem>> -> memref<50x128xf32, #tpu.memory_space<vmem>>
    %dma_start3A_20 = arith.constant 0 : i32
    %dma_start3A_21 = tpu.memref_slice %arg5[%dma_start3A_16, %dma_start3A_20] : memref<128x50xi32, #tpu.memory_space<vmem>> -> memref<1x50xi32, #tpu.memory_space<vmem>>
    %dma_start3A_22 = tpu.memref_squeeze %dma_start3A_21 : memref<1x50xi32, #tpu.memory_space<vmem>> -> memref<50xi32, #tpu.memory_space<vmem>>
    %dma_start3A_23 = arith.constant 0 : i32
    %dma_start3A_24 = arith.constant 0 : i32
    %dma_start3A_25 = tpu.memref_slice %arg3[%dma_start3A_23, %dma_start3A_24] : memref<100000x128xf32, #tpu.memory_space<hbm>> -> memref<100000x128xf32, #tpu.memory_space<hbm>>
    tpu.enqueue_indirect_dma source(%dma_start3A_25 : memref<100000x128xf32, #tpu.memory_space<hbm>>) target(%dma_start3A_19 : memref<50x128xf32, #tpu.memory_space<vmem>>) offsets(%dma_start3A_22 : memref<50xi32, #tpu.memory_space<vmem>>) semaphore(%arg12 : memref<!tpu.dma_semaphore, #tpu.memory_space<semaphore_mem>>)
    %dma_start3A_26 = arith.constant 2 : i32
    %dma_start3A_27 = arith.constant 100 : i32
    %dma_start3A_28 = arith.constant 0 : i32
    %dma_start3A_29 = tpu.memref_slice %arg6[%dma_start3A_27, %dma_start3A_28] : memref<200x128xf32, #tpu.memory_space<vmem>> -> memref<50x128xf32, #tpu.memory_space<vmem>>
    %dma_start3A_30 = arith.constant 0 : i32
    %dma_start3A_31 = tpu.memref_slice %arg5[%dma_start3A_26, %dma_start3A_30] : memref<128x50xi32, #tpu.memory_space<vmem>> -> memref<1x50xi32, #tpu.memory_space<vmem>>
    %dma_start3A_32 = tpu.memref_squeeze %dma_start3A_31 : memref<1x50xi32, #tpu.memory_space<vmem>> -> memref<50xi32, #tpu.memory_space<vmem>>
    %dma_start3A_33 = arith.constant 0 : i32
    %dma_start3A_34 = arith.constant 0 : i32
    %dma_start3A_35 = tpu.memref_slice %arg3[%dma_start3A_33, %dma_start3A_34] : memref<100000x128xf32, #tpu.memory_space<hbm>> -> memref<100000x128xf32, #tpu.memory_space<hbm>>
    tpu.enqueue_indirect_dma source(%dma_start3A_35 : memref<100000x128xf32, #tpu.memory_space<hbm>>) target(%dma_start3A_29 : memref<50x128xf32, #tpu.memory_space<vmem>>) offsets(%dma_start3A_32 : memref<50xi32, #tpu.memory_space<vmem>>) semaphore(%arg12 : memref<!tpu.dma_semaphore, #tpu.memory_space<semaphore_mem>>)
    %dma_start3A_36 = arith.constant 3 : i32
    %dma_start3A_37 = arith.constant 150 : i32
    %dma_start3A_38 = arith.constant 0 : i32
    %dma_start3A_39 = tpu.memref_slice %arg6[%dma_start3A_37, %dma_start3A_38] : memref<200x128xf32, #tpu.memory_space<vmem>> -> memref<50x128xf32, #tpu.memory_space<vmem>>
    %dma_start3A_40 = arith.constant 0 : i32
    %dma_start3A_41 = tpu.memref_slice %arg5[%dma_start3A_36, %dma_start3A_40] : memref<128x50xi32, #tpu.memory_space<vmem>> -> memref<1x50xi32, #tpu.memory_space<vmem>>
    %dma_start3A_42 = tpu.memref_squeeze %dma_start3A_41 : memref<1x50xi32, #tpu.memory_space<vmem>> -> memref<50xi32, #tpu.memory_space<vmem>>
    %dma_start3A_43 = arith.constant 0 : i32
    %dma_start3A_44 = arith.constant 0 : i32
    %dma_start3A_45 = tpu.memref_slice %arg3[%dma_start3A_43, %dma_start3A_44] : memref<100000x128xf32, #tpu.memory_space<hbm>> -> memref<100000x128xf32, #tpu.memory_space<hbm>>
    tpu.enqueue_indirect_dma source(%dma_start3A_45 : memref<100000x128xf32, #tpu.memory_space<hbm>>) target(%dma_start3A_39 : memref<50x128xf32, #tpu.memory_space<vmem>>) offsets(%dma_start3A_42 : memref<50xi32, #tpu.memory_space<vmem>>) semaphore(%arg12 : memref<!tpu.dma_semaphore, #tpu.memory_space<semaphore_mem>>)
    %dma_start3A_46 = arith.constant 4 : i32
    %dma_start3A_47 = arith.constant 0 : i32
    %dma_start3A_48 = arith.constant 0 : i32
    %dma_start3A_49 = tpu.memref_slice %arg7[%dma_start3A_47, %dma_start3A_48] : memref<200x128xf32, #tpu.memory_space<vmem>> -> memref<50x128xf32, #tpu.memory_space<vmem>>
    %dma_start3A_50 = arith.constant 0 : i32
    %dma_start3A_51 = tpu.memref_slice %arg5[%dma_start3A_46, %dma_start3A_50] : memref<128x50xi32, #tpu.memory_space<vmem>> -> memref<1x50xi32, #tpu.memory_space<vmem>>
    %dma_start3A_52 = tpu.memref_squeeze %dma_start3A_51 : memref<1x50xi32, #tpu.memory_space<vmem>> -> memref<50xi32, #tpu.memory_space<vmem>>
    %dma_start3A_53 = arith.constant 0 : i32
    %dma_start3A_54 = arith.constant 0 : i32
    %dma_start3A_55 = tpu.memref_slice %arg3[%dma_start3A_53, %dma_start3A_54] : memref<100000x128xf32, #tpu.memory_space<hbm>> -> memref<100000x128xf32, #tpu.memory_space<hbm>>
    tpu.enqueue_indirect_dma source(%dma_start3A_55 : memref<100000x128xf32, #tpu.memory_space<hbm>>) target(%dma_start3A_49 : memref<50x128xf32, #tpu.memory_space<vmem>>) offsets(%dma_start3A_52 : memref<50xi32, #tpu.memory_space<vmem>>) semaphore(%arg13 : memref<!tpu.dma_semaphore, #tpu.memory_space<semaphore_mem>>)
    %dma_start3A_56 = arith.constant 5 : i32
    %dma_start3A_57 = arith.constant 50 : i32
    %dma_start3A_58 = arith.constant 0 : i32
    %dma_start3A_59 = tpu.memref_slice %arg7[%dma_start3A_57, %dma_start3A_58] : memref<200x128xf32, #tpu.memory_space<vmem>> -> memref<50x128xf32, #tpu.memory_space<vmem>>
    %dma_start3A_60 = arith.constant 0 : i32
    %dma_start3A_61 = tpu.memref_slice %arg5[%dma_start3A_56, %dma_start3A_60] : memref<128x50xi32, #tpu.memory_space<vmem>> -> memref<1x50xi32, #tpu.memory_space<vmem>>
    %dma_start3A_62 = tpu.memref_squeeze %dma_start3A_61 : memref<1x50xi32, #tpu.memory_space<vmem>> -> memref<50xi32, #tpu.memory_space<vmem>>
    %dma_start3A_63 = arith.constant 0 : i32
    %dma_start3A_64 = arith.constant 0 : i32
    %dma_start3A_65 = tpu.memref_slice %arg3[%dma_start3A_63, %dma_start3A_64] : memref<100000x128xf32, #tpu.memory_space<hbm>> -> memref<100000x128xf32, #tpu.memory_space<hbm>>
    tpu.enqueue_indirect_dma source(%dma_start3A_65 : memref<100000x128xf32, #tpu.memory_space<hbm>>) target(%dma_start3A_59 : memref<50x128xf32, #tpu.memory_space<vmem>>) offsets(%dma_start3A_62 : memref<50xi32, #tpu.memory_space<vmem>>) semaphore(%arg13 : memref<!tpu.dma_semaphore, #tpu.memory_space<semaphore_mem>>)
    %dma_start3A_66 = arith.constant 6 : i32
    %dma_start3A_67 = arith.constant 100 : i32
    %dma_start3A_68 = arith.constant 0 : i32
    %dma_start3A_69 = tpu.memref_slice %arg7[%dma_start3A_67, %dma_start3A_68] : memref<200x128xf32, #tpu.memory_space<vmem>> -> memref<50x128xf32, #tpu.memory_space<vmem>>
    %dma_start3A_70 = arith.constant 0 : i32
    %dma_start3A_71 = tpu.memref_slice %arg5[%dma_start3A_66, %dma_start3A_70] : memref<128x50xi32, #tpu.memory_space<vmem>> -> memref<1x50xi32, #tpu.memory_space<vmem>>
    %dma_start3A_72 = tpu.memref_squeeze %dma_start3A_71 : memref<1x50xi32, #tpu.memory_space<vmem>> -> memref<50xi32, #tpu.memory_space<vmem>>
    %dma_start3A_73 = arith.constant 0 : i32
    %dma_start3A_74 = arith.constant 0 : i32
    %dma_start3A_75 = tpu.memref_slice %arg3[%dma_start3A_73, %dma_start3A_74] : memref<100000x128xf32, #tpu.memory_space<hbm>> -> memref<100000x128xf32, #tpu.memory_space<hbm>>
    tpu.enqueue_indirect_dma source(%dma_start3A_75 : memref<100000x128xf32, #tpu.memory_space<hbm>>) target(%dma_start3A_69 : memref<50x128xf32, #tpu.memory_space<vmem>>) offsets(%dma_start3A_72 : memref<50xi32, #tpu.memory_space<vmem>>) semaphore(%arg13 : memref<!tpu.dma_semaphore, #tpu.memory_space<semaphore_mem>>)
    %dma_start3A_76 = arith.constant 7 : i32
    %dma_start3A_77 = arith.constant 150 : i32
    %dma_start3A_78 = arith.constant 0 : i32
    %dma_start3A_79 = tpu.memref_slice %arg7[%dma_start3A_77, %dma_start3A_78] : memref<200x128xf32, #tpu.memory_space<vmem>> -> memref<50x128xf32, #tpu.memory_space<vmem>>
    %dma_start3A_80 = arith.constant 0 : i32
    %dma_start3A_81 = tpu.memref_slice %arg5[%dma_start3A_76, %dma_start3A_80] : memref<128x50xi32, #tpu.memory_space<vmem>> -> memref<1x50xi32, #tpu.memory_space<vmem>>
    %dma_start3A_82 = tpu.memref_squeeze %dma_start3A_81 : memref<1x50xi32, #tpu.memory_space<vmem>> -> memref<50xi32, #tpu.memory_space<vmem>>
    %dma_start3A_83 = arith.constant 0 : i32
    %dma_start3A_84 = arith.constant 0 : i32
    %dma_start3A_85 = tpu.memref_slice %arg3[%dma_start3A_83, %dma_start3A_84] : memref<100000x128xf32, #tpu.memory_space<hbm>> -> memref<100000x128xf32, #tpu.memory_space<hbm>>
    tpu.enqueue_indirect_dma source(%dma_start3A_85 : memref<100000x128xf32, #tpu.memory_space<hbm>>) target(%dma_start3A_79 : memref<50x128xf32, #tpu.memory_space<vmem>>) offsets(%dma_start3A_82 : memref<50xi32, #tpu.memory_space<vmem>>) semaphore(%arg13 : memref<!tpu.dma_semaphore, #tpu.memory_space<semaphore_mem>>)
    %dma_start3A_86 = arith.constant 8 : i32
    %dma_start3A_87 = arith.constant 0 : i32
    %dma_start3A_88 = arith.constant 0 : i32
    %dma_start3A_89 = tpu.memref_slice %arg8[%dma_start3A_87, %dma_start3A_88] : memref<200x128xf32, #tpu.memory_space<vmem>> -> memref<50x128xf32, #tpu.memory_space<vmem>>
    %dma_start3A_90 = arith.constant 0 : i32
    %dma_start3A_91 = tpu.memref_slice %arg5[%dma_start3A_86, %dma_start3A_90] : memref<128x50xi32, #tpu.memory_space<vmem>> -> memref<1x50xi32, #tpu.memory_space<vmem>>
    %dma_start3A_92 = tpu.memref_squeeze %dma_start3A_91 : memref<1x50xi32, #tpu.memory_space<vmem>> -> memref<50xi32, #tpu.memory_space<vmem>>
    %dma_start3A_93 = arith.constant 0 : i32
    %dma_start3A_94 = arith.constant 0 : i32
    %dma_start3A_95 = tpu.memref_slice %arg3[%dma_start3A_93, %dma_start3A_94] : memref<100000x128xf32, #tpu.memory_space<hbm>> -> memref<100000x128xf32, #tpu.memory_space<hbm>>
    tpu.enqueue_indirect_dma source(%dma_start3A_95 : memref<100000x128xf32, #tpu.memory_space<hbm>>) target(%dma_start3A_89 : memref<50x128xf32, #tpu.memory_space<vmem>>) offsets(%dma_start3A_92 : memref<50xi32, #tpu.memory_space<vmem>>) semaphore(%arg14 : memref<!tpu.dma_semaphore, #tpu.memory_space<semaphore_mem>>)
    %dma_start3A_96 = arith.constant 9 : i32
    %dma_start3A_97 = arith.constant 50 : i32
    %dma_start3A_98 = arith.constant 0 : i32
    %dma_start3A_99 = tpu.memref_slice %arg8[%dma_start3A_97, %dma_start3A_98] : memref<200x128xf32, #tpu.memory_space<vmem>> -> memref<50x128xf32, #tpu.memory_space<vmem>>
    %dma_start3A_100 = arith.constant 0 : i32
    %dma_start3A_101 = tpu.memref_slice %arg5[%dma_start3A_96, %dma_start3A_100] : memref<128x50xi32, #tpu.memory_space<vmem>> -> memref<1x50xi32, #tpu.memory_space<vmem>>
    %dma_start3A_102 = tpu.memref_squeeze %dma_start3A_101 : memref<1x50xi32, #tpu.memory_space<vmem>> -> memref<50xi32, #tpu.memory_space<vmem>>
    %dma_start3A_103 = arith.constant 0 : i32
    %dma_start3A_104 = arith.constant 0 : i32
    %dma_start3A_105 = tpu.memref_slice %arg3[%dma_start3A_103, %dma_start3A_104] : memref<100000x128xf32, #tpu.memory_space<hbm>> -> memref<100000x128xf32, #tpu.memory_space<hbm>>
    tpu.enqueue_indirect_dma source(%dma_start3A_105 : memref<100000x128xf32, #tpu.memory_space<hbm>>) target(%dma_start3A_99 : memref<50x128xf32, #tpu.memory_space<vmem>>) offsets(%dma_start3A_102 : memref<50xi32, #tpu.memory_space<vmem>>) semaphore(%arg14 : memref<!tpu.dma_semaphore, #tpu.memory_space<semaphore_mem>>)
    %dma_start3A_106 = arith.constant 10 : i32
    %dma_start3A_107 = arith.constant 100 : i32
    %dma_start3A_108 = arith.constant 0 : i32
    %dma_start3A_109 = tpu.memref_slice %arg8[%dma_start3A_107, %dma_start3A_108] : memref<200x128xf32, #tpu.memory_space<vmem>> -> memref<50x128xf32, #tpu.memory_space<vmem>>
    %dma_start3A_110 = arith.constant 0 : i32
    %dma_start3A_111 = tpu.memref_slice %arg5[%dma_start3A_106, %dma_start3A_110] : memref<128x50xi32, #tpu.memory_space<vmem>> -> memref<1x50xi32, #tpu.memory_space<vmem>>
    %dma_start3A_112 = tpu.memref_squeeze %dma_start3A_111 : memref<1x50xi32, #tpu.memory_space<vmem>> -> memref<50xi32, #tpu.memory_space<vmem>>
    %dma_start3A_113 = arith.constant 0 : i32
    %dma_start3A_114 = arith.constant 0 : i32
    %dma_start3A_115 = tpu.memref_slice %arg3[%dma_start3A_113, %dma_start3A_114] : memref<100000x128xf32, #tpu.memory_space<hbm>> -> memref<100000x128xf32, #tpu.memory_space<hbm>>
    tpu.enqueue_indirect_dma source(%dma_start3A_115 : memref<100000x128xf32, #tpu.memory_space<hbm>>) target(%dma_start3A_109 : memref<50x128xf32, #tpu.memory_space<vmem>>) offsets(%dma_start3A_112 : memref<50xi32, #tpu.memory_space<vmem>>) semaphore(%arg14 : memref<!tpu.dma_semaphore, #tpu.memory_space<semaphore_mem>>)
    %dma_start3A_116 = arith.constant 11 : i32
    %dma_start3A_117 = arith.constant 150 : i32
    %dma_start3A_118 = arith.constant 0 : i32
    %dma_start3A_119 = tpu.memref_slice %arg8[%dma_start3A_117, %dma_start3A_118] : memref<200x128xf32, #tpu.memory_space<vmem>> -> memref<50x128xf32, #tpu.memory_space<vmem>>
    %dma_start3A_120 = arith.constant 0 : i32
    %dma_start3A_121 = tpu.memref_slice %arg5[%dma_start3A_116, %dma_start3A_120] : memref<128x50xi32, #tpu.memory_space<vmem>> -> memref<1x50xi32, #tpu.memory_space<vmem>>
    %dma_start3A_122 = tpu.memref_squeeze %dma_start3A_121 : memref<1x50xi32, #tpu.memory_space<vmem>> -> memref<50xi32, #tpu.memory_space<vmem>>
    %dma_start3A_123 = arith.constant 0 : i32
    %dma_start3A_124 = arith.constant 0 : i32
    %dma_start3A_125 = tpu.memref_slice %arg3[%dma_start3A_123, %dma_start3A_124] : memref<100000x128xf32, #tpu.memory_space<hbm>> -> memref<100000x128xf32, #tpu.memory_space<hbm>>
    tpu.enqueue_indirect_dma source(%dma_start3A_125 : memref<100000x128xf32, #tpu.memory_space<hbm>>) target(%dma_start3A_119 : memref<50x128xf32, #tpu.memory_space<vmem>>) offsets(%dma_start3A_122 : memref<50xi32, #tpu.memory_space<vmem>>) semaphore(%arg14 : memref<!tpu.dma_semaphore, #tpu.memory_space<semaphore_mem>>)
    %scan3A = arith.constant 0 : i32
    %scan3A_126 = arith.constant 0 : i32
    %scan3A_127 = arith.constant 8 : i32
    %scan3A_128 = arith.addi %scan3A_126, %scan3A_127 : i32
    %scan3A_129 = arith.constant 1 : i32
    scf.for %scan3A_153 = %scan3A_126 to %scan3A_128 step %scan3A_129  : i32 {
      %mul3A_154 = arith.constant 4 : i32
      %mul3A_155 = arith.muli %mul3A_154, %scan3A_153 : i32
      %add3A_156 = arith.constant 0 : i32
      %add3A_157 = arith.addi %mul3A_155, %add3A_156 : i32
      %mul3A_158 = arith.constant 4 : i32
      %mul3A_159 = arith.muli %mul3A_158, %add3A_157 : i32
      %add3A_160 = arith.constant 0 : i32
      %add3A_161 = arith.addi %mul3A_159, %add3A_160 : i32
      %mul3A_162 = arith.constant 4 : i32
      %mul3A_163 = arith.muli %mul3A_162, %add3A_157 : i32
      %add3A_164 = arith.constant 1 : i32
      %add3A_165 = arith.addi %mul3A_163, %add3A_164 : i32
      %mul3A_166 = arith.constant 4 : i32
      %mul3A_167 = arith.muli %mul3A_166, %add3A_157 : i32
      %add3A_168 = arith.constant 2 : i32
      %add3A_169 = arith.addi %mul3A_167, %add3A_168 : i32
      %mul3A_170 = arith.constant 4 : i32
      %mul3A_171 = arith.muli %mul3A_170, %add3A_157 : i32
      %add3A_172 = arith.constant 3 : i32
      %add3A_173 = arith.addi %mul3A_171, %add3A_172 : i32
      %dma_wait3A_174 = arith.constant 0 : i32
      %dma_wait3A_175 = arith.constant 0 : i32
      %dma_wait3A_176 = tpu.memref_slice %arg6[%dma_wait3A_174, %dma_wait3A_175] : memref<200x128xf32, #tpu.memory_space<vmem>> -> memref<50x128xf32, #tpu.memory_space<vmem>>
      %dma_wait3A_177 = arith.constant 0 : i32
      %dma_wait3A_178 = tpu.memref_slice %arg5[%add3A_161, %dma_wait3A_177] : memref<128x50xi32, #tpu.memory_space<vmem>> -> memref<1x50xi32, #tpu.memory_space<vmem>>
      %dma_wait3A_179 = tpu.memref_squeeze %dma_wait3A_178 : memref<1x50xi32, #tpu.memory_space<vmem>> -> memref<50xi32, #tpu.memory_space<vmem>>
      %dma_wait3A_180 = arith.constant 0 : i32
      %dma_wait3A_181 = arith.constant 0 : i32
      %dma_wait3A_182 = tpu.memref_slice %arg3[%dma_wait3A_180, %dma_wait3A_181] : memref<100000x128xf32, #tpu.memory_space<hbm>> -> memref<100000x128xf32, #tpu.memory_space<hbm>>
      tpu.wait_indirect_dma semaphore(%arg12 : memref<!tpu.dma_semaphore, #tpu.memory_space<semaphore_mem>>) src(%dma_wait3A_182 : memref<100000x128xf32, #tpu.memory_space<hbm>>) dst(%dma_wait3A_176 : memref<50x128xf32, #tpu.memory_space<vmem>>)
      %dma_wait3A_183 = arith.constant 50 : i32
      %dma_wait3A_184 = arith.constant 0 : i32
      %dma_wait3A_185 = tpu.memref_slice %arg6[%dma_wait3A_183, %dma_wait3A_184] : memref<200x128xf32, #tpu.memory_space<vmem>> -> memref<50x128xf32, #tpu.memory_space<vmem>>
      %dma_wait3A_186 = arith.constant 0 : i32
      %dma_wait3A_187 = tpu.memref_slice %arg5[%add3A_165, %dma_wait3A_186] : memref<128x50xi32, #tpu.memory_space<vmem>> -> memref<1x50xi32, #tpu.memory_space<vmem>>
      %dma_wait3A_188 = tpu.memref_squeeze %dma_wait3A_187 : memref<1x50xi32, #tpu.memory_space<vmem>> -> memref<50xi32, #tpu.memory_space<vmem>>
      %dma_wait3A_189 = arith.constant 0 : i32
      %dma_wait3A_190 = arith.constant 0 : i32
      %dma_wait3A_191 = tpu.memref_slice %arg3[%dma_wait3A_189, %dma_wait3A_190] : memref<100000x128xf32, #tpu.memory_space<hbm>> -> memref<100000x128xf32, #tpu.memory_space<hbm>>
      tpu.wait_indirect_dma semaphore(%arg12 : memref<!tpu.dma_semaphore, #tpu.memory_space<semaphore_mem>>) src(%dma_wait3A_191 : memref<100000x128xf32, #tpu.memory_space<hbm>>) dst(%dma_wait3A_185 : memref<50x128xf32, #tpu.memory_space<vmem>>)
      %dma_wait3A_192 = arith.constant 100 : i32
      %dma_wait3A_193 = arith.constant 0 : i32
      %dma_wait3A_194 = tpu.memref_slice %arg6[%dma_wait3A_192, %dma_wait3A_193] : memref<200x128xf32, #tpu.memory_space<vmem>> -> memref<50x128xf32, #tpu.memory_space<vmem>>
      %dma_wait3A_195 = arith.constant 0 : i32
      %dma_wait3A_196 = tpu.memref_slice %arg5[%add3A_169, %dma_wait3A_195] : memref<128x50xi32, #tpu.memory_space<vmem>> -> memref<1x50xi32, #tpu.memory_space<vmem>>
      %dma_wait3A_197 = tpu.memref_squeeze %dma_wait3A_196 : memref<1x50xi32, #tpu.memory_space<vmem>> -> memref<50xi32, #tpu.memory_space<vmem>>
      %dma_wait3A_198 = arith.constant 0 : i32
      %dma_wait3A_199 = arith.constant 0 : i32
      %dma_wait3A_200 = tpu.memref_slice %arg3[%dma_wait3A_198, %dma_wait3A_199] : memref<100000x128xf32, #tpu.memory_space<hbm>> -> memref<100000x128xf32, #tpu.memory_space<hbm>>
      tpu.wait_indirect_dma semaphore(%arg12 : memref<!tpu.dma_semaphore, #tpu.memory_space<semaphore_mem>>) src(%dma_wait3A_200 : memref<100000x128xf32, #tpu.memory_space<hbm>>) dst(%dma_wait3A_194 : memref<50x128xf32, #tpu.memory_space<vmem>>)
      %dma_wait3A_201 = arith.constant 150 : i32
      %dma_wait3A_202 = arith.constant 0 : i32
      %dma_wait3A_203 = tpu.memref_slice %arg6[%dma_wait3A_201, %dma_wait3A_202] : memref<200x128xf32, #tpu.memory_space<vmem>> -> memref<50x128xf32, #tpu.memory_space<vmem>>
      %dma_wait3A_204 = arith.constant 0 : i32
      %dma_wait3A_205 = tpu.memref_slice %arg5[%add3A_173, %dma_wait3A_204] : memref<128x50xi32, #tpu.memory_space<vmem>> -> memref<1x50xi32, #tpu.memory_space<vmem>>
      %dma_wait3A_206 = tpu.memref_squeeze %dma_wait3A_205 : memref<1x50xi32, #tpu.memory_space<vmem>> -> memref<50xi32, #tpu.memory_space<vmem>>
      %dma_wait3A_207 = arith.constant 0 : i32
      %dma_wait3A_208 = arith.constant 0 : i32
      %dma_wait3A_209 = tpu.memref_slice %arg3[%dma_wait3A_207, %dma_wait3A_208] : memref<100000x128xf32, #tpu.memory_space<hbm>> -> memref<100000x128xf32, #tpu.memory_space<hbm>>
      tpu.wait_indirect_dma semaphore(%arg12 : memref<!tpu.dma_semaphore, #tpu.memory_space<semaphore_mem>>) src(%dma_wait3A_209 : memref<100000x128xf32, #tpu.memory_space<hbm>>) dst(%dma_wait3A_203 : memref<50x128xf32, #tpu.memory_space<vmem>>)
      %add3A_210 = arith.constant 3 : i32
      %add3A_211 = arith.addi %add3A_157, %add3A_210 : i32
      %lt3A = arith.constant 32 : i32
      %lt3A_212 = arith.cmpi slt, %add3A_211, %lt3A : i32
      %convert_element_type3A = arith.extui %lt3A_212 : i1 to i32
      %cond3A = arith.constant 0 : i32
      %cond3A_213 = arith.cmpi ne, %convert_element_type3A, %cond3A : i32
      scf.if %cond3A_213 {
        %add3A_483 = arith.constant 3 : i32
        %add3A_484 = arith.addi %add3A_157, %add3A_483 : i32
        %mul3A_485 = arith.constant 4 : i32
        %mul3A_486 = arith.muli %mul3A_485, %add3A_484 : i32
        %add3A_487 = arith.constant 0 : i32
        %add3A_488 = arith.addi %mul3A_486, %add3A_487 : i32
        %mul3A_489 = arith.constant 4 : i32
        %mul3A_490 = arith.muli %mul3A_489, %add3A_484 : i32
        %add3A_491 = arith.constant 1 : i32
        %add3A_492 = arith.addi %mul3A_490, %add3A_491 : i32
        %mul3A_493 = arith.constant 4 : i32
        %mul3A_494 = arith.muli %mul3A_493, %add3A_484 : i32
        %add3A_495 = arith.constant 2 : i32
        %add3A_496 = arith.addi %mul3A_494, %add3A_495 : i32
        %mul3A_497 = arith.constant 4 : i32
        %mul3A_498 = arith.muli %mul3A_497, %add3A_484 : i32
        %add3A_499 = arith.constant 3 : i32
        %add3A_500 = arith.addi %mul3A_498, %add3A_499 : i32
        %dma_start3A_501 = arith.constant 0 : i32
        %dma_start3A_502 = arith.constant 0 : i32
        %dma_start3A_503 = tpu.memref_slice %arg9[%dma_start3A_501, %dma_start3A_502] : memref<200x128xf32, #tpu.memory_space<vmem>> -> memref<50x128xf32, #tpu.memory_space<vmem>>
        %dma_start3A_504 = arith.constant 0 : i32
        %dma_start3A_505 = tpu.memref_slice %arg5[%add3A_488, %dma_start3A_504] : memref<128x50xi32, #tpu.memory_space<vmem>> -> memref<1x50xi32, #tpu.memory_space<vmem>>
        %dma_start3A_506 = tpu.memref_squeeze %dma_start3A_505 : memref<1x50xi32, #tpu.memory_space<vmem>> -> memref<50xi32, #tpu.memory_space<vmem>>
        %dma_start3A_507 = arith.constant 0 : i32
        %dma_start3A_508 = arith.constant 0 : i32
        %dma_start3A_509 = tpu.memref_slice %arg3[%dma_start3A_507, %dma_start3A_508] : memref<100000x128xf32, #tpu.memory_space<hbm>> -> memref<100000x128xf32, #tpu.memory_space<hbm>>
        tpu.enqueue_indirect_dma source(%dma_start3A_509 : memref<100000x128xf32, #tpu.memory_space<hbm>>) target(%dma_start3A_503 : memref<50x128xf32, #tpu.memory_space<vmem>>) offsets(%dma_start3A_506 : memref<50xi32, #tpu.memory_space<vmem>>) semaphore(%arg15 : memref<!tpu.dma_semaphore, #tpu.memory_space<semaphore_mem>>)
        %dma_start3A_510 = arith.constant 50 : i32
        %dma_start3A_511 = arith.constant 0 : i32
        %dma_start3A_512 = tpu.memref_slice %arg9[%dma_start3A_510, %dma_start3A_511] : memref<200x128xf32, #tpu.memory_space<vmem>> -> memref<50x128xf32, #tpu.memory_space<vmem>>
        %dma_start3A_513 = arith.constant 0 : i32
        %dma_start3A_514 = tpu.memref_slice %arg5[%add3A_492, %dma_start3A_513] : memref<128x50xi32, #tpu.memory_space<vmem>> -> memref<1x50xi32, #tpu.memory_space<vmem>>
        %dma_start3A_515 = tpu.memref_squeeze %dma_start3A_514 : memref<1x50xi32, #tpu.memory_space<vmem>> -> memref<50xi32, #tpu.memory_space<vmem>>
        %dma_start3A_516 = arith.constant 0 : i32
        %dma_start3A_517 = arith.constant 0 : i32
        %dma_start3A_518 = tpu.memref_slice %arg3[%dma_start3A_516, %dma_start3A_517] : memref<100000x128xf32, #tpu.memory_space<hbm>> -> memref<100000x128xf32, #tpu.memory_space<hbm>>
        tpu.enqueue_indirect_dma source(%dma_start3A_518 : memref<100000x128xf32, #tpu.memory_space<hbm>>) target(%dma_start3A_512 : memref<50x128xf32, #tpu.memory_space<vmem>>) offsets(%dma_start3A_515 : memref<50xi32, #tpu.memory_space<vmem>>) semaphore(%arg15 : memref<!tpu.dma_semaphore, #tpu.memory_space<semaphore_mem>>)
        %dma_start3A_519 = arith.constant 100 : i32
        %dma_start3A_520 = arith.constant 0 : i32
        %dma_start3A_521 = tpu.memref_slice %arg9[%dma_start3A_519, %dma_start3A_520] : memref<200x128xf32, #tpu.memory_space<vmem>> -> memref<50x128xf32, #tpu.memory_space<vmem>>
        %dma_start3A_522 = arith.constant 0 : i32
        %dma_start3A_523 = tpu.memref_slice %arg5[%add3A_496, %dma_start3A_522] : memref<128x50xi32, #tpu.memory_space<vmem>> -> memref<1x50xi32, #tpu.memory_space<vmem>>
        %dma_start3A_524 = tpu.memref_squeeze %dma_start3A_523 : memref<1x50xi32, #tpu.memory_space<vmem>> -> memref<50xi32, #tpu.memory_space<vmem>>
        %dma_start3A_525 = arith.constant 0 : i32
        %dma_start3A_526 = arith.constant 0 : i32
        %dma_start3A_527 = tpu.memref_slice %arg3[%dma_start3A_525, %dma_start3A_526] : memref<100000x128xf32, #tpu.memory_space<hbm>> -> memref<100000x128xf32, #tpu.memory_space<hbm>>
        tpu.enqueue_indirect_dma source(%dma_start3A_527 : memref<100000x128xf32, #tpu.memory_space<hbm>>) target(%dma_start3A_521 : memref<50x128xf32, #tpu.memory_space<vmem>>) offsets(%dma_start3A_524 : memref<50xi32, #tpu.memory_space<vmem>>) semaphore(%arg15 : memref<!tpu.dma_semaphore, #tpu.memory_space<semaphore_mem>>)
        %dma_start3A_528 = arith.constant 150 : i32
        %dma_start3A_529 = arith.constant 0 : i32
        %dma_start3A_530 = tpu.memref_slice %arg9[%dma_start3A_528, %dma_start3A_529] : memref<200x128xf32, #tpu.memory_space<vmem>> -> memref<50x128xf32, #tpu.memory_space<vmem>>
        %dma_start3A_531 = arith.constant 0 : i32
        %dma_start3A_532 = tpu.memref_slice %arg5[%add3A_500, %dma_start3A_531] : memref<128x50xi32, #tpu.memory_space<vmem>> -> memref<1x50xi32, #tpu.memory_space<vmem>>
        %dma_start3A_533 = tpu.memref_squeeze %dma_start3A_532 : memref<1x50xi32, #tpu.memory_space<vmem>> -> memref<50xi32, #tpu.memory_space<vmem>>
        %dma_start3A_534 = arith.constant 0 : i32
        %dma_start3A_535 = arith.constant 0 : i32
        %dma_start3A_536 = tpu.memref_slice %arg3[%dma_start3A_534, %dma_start3A_535] : memref<100000x128xf32, #tpu.memory_space<hbm>> -> memref<100000x128xf32, #tpu.memory_space<hbm>>
        tpu.enqueue_indirect_dma source(%dma_start3A_536 : memref<100000x128xf32, #tpu.memory_space<hbm>>) target(%dma_start3A_530 : memref<50x128xf32, #tpu.memory_space<vmem>>) offsets(%dma_start3A_533 : memref<50xi32, #tpu.memory_space<vmem>>) semaphore(%arg15 : memref<!tpu.dma_semaphore, #tpu.memory_space<semaphore_mem>>)
      } else {
      }
      %ge3A = arith.constant 2 : i32
      %ge3A_214 = arith.cmpi sge, %add3A_157, %ge3A : i32
      %convert_element_type3A_215 = arith.extui %ge3A_214 : i1 to i32
      %cond3A_216 = arith.constant 0 : i32
      %cond3A_217 = arith.cmpi ne, %convert_element_type3A_215, %cond3A_216 : i32
      scf.if %cond3A_217 {
        %add3A_483 = arith.addi %mul3A_2, %add3A_157 : i32
        %sub3A_484 = arith.constant 2 : i32
        %sub3A_485 = arith.subi %add3A_483, %sub3A_484 : i32
        %dma_wait3A_486 = arith.constant 0 : i32
        %dma_wait3A_487 = tpu.memref_slice %arg4[%sub3A_485, %dma_wait3A_486] : memref<1024x2560xf32, #tpu.memory_space<hbm>> -> memref<1x2560xf32, #tpu.memory_space<hbm>>
        %dma_wait3A_488 = tpu.memref_squeeze %dma_wait3A_487 : memref<1x2560xf32, #tpu.memory_space<hbm>> -> memref<2560xf32, #tpu.memory_space<hbm>>
        %dma_wait3A_489 = arith.constant 0 : i32
        %dma_wait3A_490 = tpu.memref_slice %arg4[%sub3A_485, %dma_wait3A_489] : memref<1024x2560xf32, #tpu.memory_space<hbm>> -> memref<1x2560xf32, #tpu.memory_space<hbm>>
        %dma_wait3A_491 = tpu.memref_squeeze %dma_wait3A_490 : memref<1x2560xf32, #tpu.memory_space<hbm>> -> memref<2560xf32, #tpu.memory_space<hbm>>
        tpu.wait_dma2 semaphore(%arg16 : memref<!tpu.dma_semaphore, #tpu.memory_space<semaphore_mem>>) src(%arg10 : memref<2560xf32, #tpu.memory_space<vmem>>) dst(%dma_wait3A_491 : memref<2560xf32, #tpu.memory_space<hbm>>)
      } else {
      }
      %iota3A = tpu.iota {dimensions = array<i32: 0>} : vector<16xi32>
      %mul3A_218 = arith.constant 10 : i32
      %mul3A_219 = vector.broadcast %mul3A_218 : i32 to vector<16xi32>
      %mul3A_220 = arith.muli %mul3A_219, %iota3A : vector<16xi32>
      %broadcast_in_dim3A = arith.constant 0 : i32
      %broadcast_in_dim3A_221 = vector.broadcast %broadcast_in_dim3A : i32 to vector<16xi32>
      %parallel_loop3A = arith.constant 0 : i32
      %parallel_loop3A_222 = arith.constant 160 : i32
      %parallel_loop3A_223 = arith.constant 1 : i32
      scf.for %parallel_loop3A_483 = %parallel_loop3A to %parallel_loop3A_222 step %parallel_loop3A_223  : i32 {
        %parallel_loop3A_484 = arith.constant 160 : i32
        %parallel_loop3A_485 = arith.muli %parallel_loop3A_483, %parallel_loop3A_484 : i32
        %parallel_loop3A_486 = arith.constant 0 : i32
        %parallel_loop3A_487 = arith.addi %parallel_loop3A_485, %parallel_loop3A_486 : i32
        %parallel_loop3A_488 = vector.broadcast %parallel_loop3A_487 : i32 to vector<16xi32>
        %parallel_loop3A_489 = arith.addi %mul3A_220, %parallel_loop3A_488 : vector<16xi32>
        %parallel_loop3A_490 = tpu.vector_load_idx %arg6[%broadcast_in_dim3A_221, %parallel_loop3A_489] : memref<200x128xf32, #tpu.memory_space<vmem>>[vector<16xi32>, vector<16xi32>], vector<16xf32>,
        %parallel_loop3A_491 = arith.constant 1 : i32
        %parallel_loop3A_492 = arith.addi %parallel_loop3A_485, %parallel_loop3A_491 : i32
        %parallel_loop3A_493 = vector.broadcast %parallel_loop3A_492 : i32 to vector<16xi32>
        %parallel_loop3A_494 = arith.addi %mul3A_220, %parallel_loop3A_493 : vector<16xi32>
        %parallel_loop3A_495 = tpu.vector_load_idx %arg6[%broadcast_in_dim3A_221, %parallel_loop3A_494] : memref<200x128xf32, #tpu.memory_space<vmem>>[vector<16xi32>, vector<16xi32>], vector<16xf32>,
        %parallel_loop3A_496 = arith.addf %parallel_loop3A_490, %parallel_loop3A_495 : vector<16xf32>
        %parallel_loop3A_497 = arith.constant 2 : i32
        %parallel_loop3A_498 = arith.addi %parallel_loop3A_485, %parallel_loop3A_497 : i32
        %parallel_loop3A_499 = vector.broadcast %parallel_loop3A_498 : i32 to vector<16xi32>
        %parallel_loop3A_500 = arith.addi %mul3A_220, %parallel_loop3A_499 : vector<16xi32>
        %parallel_loop3A_501 = tpu.vector_load_idx %arg6[%broadcast_in_dim3A_221, %parallel_loop3A_500] : memref<200x128xf32, #tpu.memory_space<vmem>>[vector<16xi32>, vector<16xi32>], vector<16xf32>,
        %parallel_loop3A_502 = arith.constant 3 : i32
        %parallel_loop3A_503 = arith.addi %parallel_loop3A_485, %parallel_loop3A_502 : i32
        %parallel_loop3A_504 = vector.broadcast %parallel_loop3A_503 : i32 to vector<16xi32>
        %parallel_loop3A_505 = arith.addi %mul3A_220, %parallel_loop3A_504 : vector<16xi32>
        %parallel_loop3A_506 = tpu.vector_load_idx %arg6[%broadcast_in_dim3A_221, %parallel_loop3A_505] : memref<200x128xf32, #tpu.memory_space<vmem>>[vector<16xi32>, vector<16xi32>], vector<16xf32>,
        %parallel_loop3A_507 = arith.addf %parallel_loop3A_501, %parallel_loop3A_506 : vector<16xf32>
        %parallel_loop3A_508 = arith.addf %parallel_loop3A_496, %parallel_loop3A_507 : vector<16xf32>
        %parallel_loop3A_509 = arith.constant 4 : i32
        %parallel_loop3A_510 = arith.addi %parallel_loop3A_485, %parallel_loop3A_509 : i32
        %parallel_loop3A_511 = vector.broadcast %parallel_loop3A_510 : i32 to vector<16xi32>
        %parallel_loop3A_512 = arith.addi %mul3A_220, %parallel_loop3A_511 : vector<16xi32>
        %parallel_loop3A_513 = tpu.vector_load_idx %arg6[%broadcast_in_dim3A_221, %parallel_loop3A_512] : memref<200x128xf32, #tpu.memory_space<vmem>>[vector<16xi32>, vector<16xi32>], vector<16xf32>,
        %parallel_loop3A_514 = arith.constant 5 : i32
        %parallel_loop3A_515 = arith.addi %parallel_loop3A_485, %parallel_loop3A_514 : i32
        %parallel_loop3A_516 = vector.broadcast %parallel_loop3A_515 : i32 to vector<16xi32>
        %parallel_loop3A_517 = arith.addi %mul3A_220, %parallel_loop3A_516 : vector<16xi32>
        %parallel_loop3A_518 = tpu.vector_load_idx %arg6[%broadcast_in_dim3A_221, %parallel_loop3A_517] : memref<200x128xf32, #tpu.memory_space<vmem>>[vector<16xi32>, vector<16xi32>], vector<16xf32>,
        %parallel_loop3A_519 = arith.addf %parallel_loop3A_513, %parallel_loop3A_518 : vector<16xf32>
        %parallel_loop3A_520 = arith.constant 6 : i32
        %parallel_loop3A_521 = arith.addi %parallel_loop3A_485, %parallel_loop3A_520 : i32
        %parallel_loop3A_522 = vector.broadcast %parallel_loop3A_521 : i32 to vector<16xi32>
        %parallel_loop3A_523 = arith.addi %mul3A_220, %parallel_loop3A_522 : vector<16xi32>
        %parallel_loop3A_524 = tpu.vector_load_idx %arg6[%broadcast_in_dim3A_221, %parallel_loop3A_523] : memref<200x128xf32, #tpu.memory_space<vmem>>[vector<16xi32>, vector<16xi32>], vector<16xf32>,
        %parallel_loop3A_525 = arith.constant 7 : i32
        %parallel_loop3A_526 = arith.addi %parallel_loop3A_485, %parallel_loop3A_525 : i32
        %parallel_loop3A_527 = vector.broadcast %parallel_loop3A_526 : i32 to vector<16xi32>
        %parallel_loop3A_528 = arith.addi %mul3A_220, %parallel_loop3A_527 : vector<16xi32>
        %parallel_loop3A_529 = tpu.vector_load_idx %arg6[%broadcast_in_dim3A_221, %parallel_loop3A_528] : memref<200x128xf32, #tpu.memory_space<vmem>>[vector<16xi32>, vector<16xi32>], vector<16xf32>,
        %parallel_loop3A_530 = arith.addf %parallel_loop3A_524, %parallel_loop3A_529 : vector<16xf32>
        %parallel_loop3A_531 = arith.addf %parallel_loop3A_519, %parallel_loop3A_530 : vector<16xf32>
        %parallel_loop3A_532 = arith.constant 8 : i32
        %parallel_loop3A_533 = arith.addi %parallel_loop3A_485, %parallel_loop3A_532 : i32
        %parallel_loop3A_534 = vector.broadcast %parallel_loop3A_533 : i32 to vector<16xi32>
        %parallel_loop3A_535 = arith.addi %mul3A_220, %parallel_loop3A_534 : vector<16xi32>
        %parallel_loop3A_536 = tpu.vector_load_idx %arg6[%broadcast_in_dim3A_221, %parallel_loop3A_535] : memref<200x128xf32, #tpu.memory_space<vmem>>[vector<16xi32>, vector<16xi32>], vector<16xf32>,
        %parallel_loop3A_537 = arith.constant 9 : i32
        %parallel_loop3A_538 = arith.addi %parallel_loop3A_485, %parallel_loop3A_537 : i32
        %parallel_loop3A_539 = vector.broadcast %parallel_loop3A_538 : i32 to vector<16xi32>
        %parallel_loop3A_540 = arith.addi %mul3A_220, %parallel_loop3A_539 : vector<16xi32>
        %parallel_loop3A_541 = tpu.vector_load_idx %arg6[%broadcast_in_dim3A_221, %parallel_loop3A_540] : memref<200x128xf32, #tpu.memory_space<vmem>>[vector<16xi32>, vector<16xi32>], vector<16xf32>,
        %parallel_loop3A_542 = arith.addf %parallel_loop3A_536, %parallel_loop3A_541 : vector<16xf32>
        %parallel_loop3A_543 = arith.addf %parallel_loop3A_531, %parallel_loop3A_542 : vector<16xf32>
        %parallel_loop3A_544 = arith.addf %parallel_loop3A_508, %parallel_loop3A_543 : vector<16xf32>
        %parallel_loop3A_545 = arith.constant 1.000000e-01 : f32
        %parallel_loop3A_546 = vector.broadcast %parallel_loop3A_545 : f32 to vector<16xf32>
        %parallel_loop3A_547 = arith.mulf %parallel_loop3A_544, %parallel_loop3A_546 : vector<16xf32>
        %parallel_loop3A_548 = arith.constant 16 : i32
        %parallel_loop3A_549 = arith.muli %parallel_loop3A_483, %parallel_loop3A_548 : i32
        %parallel_loop3A_550 = arith.index_cast %parallel_loop3A_549 : i32 to index
        %parallel_loop3A_551 = tpu.vector_load %arg10[%parallel_loop3A_550] {strides = array<i32>} : memref<2560xf32, #tpu.memory_space<vmem>>, vector<16xf32>,
        tpu.vector_store %arg10[%parallel_loop3A_550], %parallel_loop3A_547 {strides = array<i32>} : memref<2560xf32, #tpu.memory_space<vmem>>, vector<16xf32>,
      } {sc.loop_unroll_factor = 4 : i64, sc.parallel_access}
      %add3A_224 = arith.addi %mul3A_2, %add3A_157 : i32
      %dma_start3A_225 = arith.constant 0 : i32
      %dma_start3A_226 = tpu.memref_slice %arg4[%add3A_224, %dma_start3A_225] : memref<1024x2560xf32, #tpu.memory_space<hbm>> -> memref<1x2560xf32, #tpu.memory_space<hbm>>
      %dma_start3A_227 = tpu.memref_squeeze %dma_start3A_226 : memref<1x2560xf32, #tpu.memory_space<hbm>> -> memref<2560xf32, #tpu.memory_space<hbm>>
      %dma_start3A_228 = arith.constant 0 : i32
      %dma_start3A_229 = tpu.memref_slice %arg4[%add3A_224, %dma_start3A_228] : memref<1024x2560xf32, #tpu.memory_space<hbm>> -> memref<1x2560xf32, #tpu.memory_space<hbm>>
      %dma_start3A_230 = tpu.memref_squeeze %dma_start3A_229 : memref<1x2560xf32, #tpu.memory_space<hbm>> -> memref<2560xf32, #tpu.memory_space<hbm>>
      tpu.enqueue_dma source(%arg10 : memref<2560xf32, #tpu.memory_space<vmem>>) target(%dma_start3A_230 : memref<2560xf32, #tpu.memory_space<hbm>>) target_semaphore(%arg16 : memref<!tpu.dma_semaphore, #tpu.memory_space<semaphore_mem>>)
      %mul3A_231 = arith.constant 4 : i32
      %mul3A_232 = arith.muli %mul3A_231, %scan3A_153 : i32
      %add3A_233 = arith.constant 1 : i32
      %add3A_234 = arith.addi %mul3A_232, %add3A_233 : i32
      %mul3A_235 = arith.constant 4 : i32
      %mul3A_236 = arith.muli %mul3A_235, %add3A_234 : i32
      %add3A_237 = arith.constant 0 : i32
      %add3A_238 = arith.addi %mul3A_236, %add3A_237 : i32
      %mul3A_239 = arith.constant 4 : i32
      %mul3A_240 = arith.muli %mul3A_239, %add3A_234 : i32
      %add3A_241 = arith.constant 1 : i32
      %add3A_242 = arith.addi %mul3A_240, %add3A_241 : i32
      %mul3A_243 = arith.constant 4 : i32
      %mul3A_244 = arith.muli %mul3A_243, %add3A_234 : i32
      %add3A_245 = arith.constant 2 : i32
      %add3A_246 = arith.addi %mul3A_244, %add3A_245 : i32
      %mul3A_247 = arith.constant 4 : i32
      %mul3A_248 = arith.muli %mul3A_247, %add3A_234 : i32
      %add3A_249 = arith.constant 3 : i32
      %add3A_250 = arith.addi %mul3A_248, %add3A_249 : i32
      %dma_wait3A_251 = arith.constant 0 : i32
      %dma_wait3A_252 = arith.constant 0 : i32
      %dma_wait3A_253 = tpu.memref_slice %arg7[%dma_wait3A_251, %dma_wait3A_252] : memref<200x128xf32, #tpu.memory_space<vmem>> -> memref<50x128xf32, #tpu.memory_space<vmem>>
      %dma_wait3A_254 = arith.constant 0 : i32
      %dma_wait3A_255 = tpu.memref_slice %arg5[%add3A_238, %dma_wait3A_254] : memref<128x50xi32, #tpu.memory_space<vmem>> -> memref<1x50xi32, #tpu.memory_space<vmem>>
      %dma_wait3A_256 = tpu.memref_squeeze %dma_wait3A_255 : memref<1x50xi32, #tpu.memory_space<vmem>> -> memref<50xi32, #tpu.memory_space<vmem>>
      %dma_wait3A_257 = arith.constant 0 : i32
      %dma_wait3A_258 = arith.constant 0 : i32
      %dma_wait3A_259 = tpu.memref_slice %arg3[%dma_wait3A_257, %dma_wait3A_258] : memref<100000x128xf32, #tpu.memory_space<hbm>> -> memref<100000x128xf32, #tpu.memory_space<hbm>>
      tpu.wait_indirect_dma semaphore(%arg13 : memref<!tpu.dma_semaphore, #tpu.memory_space<semaphore_mem>>) src(%dma_wait3A_259 : memref<100000x128xf32, #tpu.memory_space<hbm>>) dst(%dma_wait3A_253 : memref<50x128xf32, #tpu.memory_space<vmem>>)
      %dma_wait3A_260 = arith.constant 50 : i32
      %dma_wait3A_261 = arith.constant 0 : i32
      %dma_wait3A_262 = tpu.memref_slice %arg7[%dma_wait3A_260, %dma_wait3A_261] : memref<200x128xf32, #tpu.memory_space<vmem>> -> memref<50x128xf32, #tpu.memory_space<vmem>>
      %dma_wait3A_263 = arith.constant 0 : i32
      %dma_wait3A_264 = tpu.memref_slice %arg5[%add3A_242, %dma_wait3A_263] : memref<128x50xi32, #tpu.memory_space<vmem>> -> memref<1x50xi32, #tpu.memory_space<vmem>>
      %dma_wait3A_265 = tpu.memref_squeeze %dma_wait3A_264 : memref<1x50xi32, #tpu.memory_space<vmem>> -> memref<50xi32, #tpu.memory_space<vmem>>
      %dma_wait3A_266 = arith.constant 0 : i32
      %dma_wait3A_267 = arith.constant 0 : i32
      %dma_wait3A_268 = tpu.memref_slice %arg3[%dma_wait3A_266, %dma_wait3A_267] : memref<100000x128xf32, #tpu.memory_space<hbm>> -> memref<100000x128xf32, #tpu.memory_space<hbm>>
      tpu.wait_indirect_dma semaphore(%arg13 : memref<!tpu.dma_semaphore, #tpu.memory_space<semaphore_mem>>) src(%dma_wait3A_268 : memref<100000x128xf32, #tpu.memory_space<hbm>>) dst(%dma_wait3A_262 : memref<50x128xf32, #tpu.memory_space<vmem>>)
      %dma_wait3A_269 = arith.constant 100 : i32
      %dma_wait3A_270 = arith.constant 0 : i32
      %dma_wait3A_271 = tpu.memref_slice %arg7[%dma_wait3A_269, %dma_wait3A_270] : memref<200x128xf32, #tpu.memory_space<vmem>> -> memref<50x128xf32, #tpu.memory_space<vmem>>
      %dma_wait3A_272 = arith.constant 0 : i32
      %dma_wait3A_273 = tpu.memref_slice %arg5[%add3A_246, %dma_wait3A_272] : memref<128x50xi32, #tpu.memory_space<vmem>> -> memref<1x50xi32, #tpu.memory_space<vmem>>
      %dma_wait3A_274 = tpu.memref_squeeze %dma_wait3A_273 : memref<1x50xi32, #tpu.memory_space<vmem>> -> memref<50xi32, #tpu.memory_space<vmem>>
      %dma_wait3A_275 = arith.constant 0 : i32
      %dma_wait3A_276 = arith.constant 0 : i32
      %dma_wait3A_277 = tpu.memref_slice %arg3[%dma_wait3A_275, %dma_wait3A_276] : memref<100000x128xf32, #tpu.memory_space<hbm>> -> memref<100000x128xf32, #tpu.memory_space<hbm>>
      tpu.wait_indirect_dma semaphore(%arg13 : memref<!tpu.dma_semaphore, #tpu.memory_space<semaphore_mem>>) src(%dma_wait3A_277 : memref<100000x128xf32, #tpu.memory_space<hbm>>) dst(%dma_wait3A_271 : memref<50x128xf32, #tpu.memory_space<vmem>>)
      %dma_wait3A_278 = arith.constant 150 : i32
      %dma_wait3A_279 = arith.constant 0 : i32
      %dma_wait3A_280 = tpu.memref_slice %arg7[%dma_wait3A_278, %dma_wait3A_279] : memref<200x128xf32, #tpu.memory_space<vmem>> -> memref<50x128xf32, #tpu.memory_space<vmem>>
      %dma_wait3A_281 = arith.constant 0 : i32
      %dma_wait3A_282 = tpu.memref_slice %arg5[%add3A_250, %dma_wait3A_281] : memref<128x50xi32, #tpu.memory_space<vmem>> -> memref<1x50xi32, #tpu.memory_space<vmem>>
      %dma_wait3A_283 = tpu.memref_squeeze %dma_wait3A_282 : memref<1x50xi32, #tpu.memory_space<vmem>> -> memref<50xi32, #tpu.memory_space<vmem>>
      %dma_wait3A_284 = arith.constant 0 : i32
      %dma_wait3A_285 = arith.constant 0 : i32
      %dma_wait3A_286 = tpu.memref_slice %arg3[%dma_wait3A_284, %dma_wait3A_285] : memref<100000x128xf32, #tpu.memory_space<hbm>> -> memref<100000x128xf32, #tpu.memory_space<hbm>>
      tpu.wait_indirect_dma semaphore(%arg13 : memref<!tpu.dma_semaphore, #tpu.memory_space<semaphore_mem>>) src(%dma_wait3A_286 : memref<100000x128xf32, #tpu.memory_space<hbm>>) dst(%dma_wait3A_280 : memref<50x128xf32, #tpu.memory_space<vmem>>)
      %add3A_287 = arith.constant 3 : i32
      %add3A_288 = arith.addi %add3A_234, %add3A_287 : i32
      %lt3A_289 = arith.constant 32 : i32
      %lt3A_290 = arith.cmpi slt, %add3A_288, %lt3A_289 : i32
      %convert_element_type3A_291 = arith.extui %lt3A_290 : i1 to i32
      %cond3A_292 = arith.constant 0 : i32
      %cond3A_293 = arith.cmpi ne, %convert_element_type3A_291, %cond3A_292 : i32
      scf.if %cond3A_293 {
        %add3A_483 = arith.constant 3 : i32
        %add3A_484 = arith.addi %add3A_234, %add3A_483 : i32
        %mul3A_485 = arith.constant 4 : i32
        %mul3A_486 = arith.muli %mul3A_485, %add3A_484 : i32
        %add3A_487 = arith.constant 0 : i32
        %add3A_488 = arith.addi %mul3A_486, %add3A_487 : i32
        %mul3A_489 = arith.constant 4 : i32
        %mul3A_490 = arith.muli %mul3A_489, %add3A_484 : i32
        %add3A_491 = arith.constant 1 : i32
        %add3A_492 = arith.addi %mul3A_490, %add3A_491 : i32
        %mul3A_493 = arith.constant 4 : i32
        %mul3A_494 = arith.muli %mul3A_493, %add3A_484 : i32
        %add3A_495 = arith.constant 2 : i32
        %add3A_496 = arith.addi %mul3A_494, %add3A_495 : i32
        %mul3A_497 = arith.constant 4 : i32
        %mul3A_498 = arith.muli %mul3A_497, %add3A_484 : i32
        %add3A_499 = arith.constant 3 : i32
        %add3A_500 = arith.addi %mul3A_498, %add3A_499 : i32
        %dma_start3A_501 = arith.constant 0 : i32
        %dma_start3A_502 = arith.constant 0 : i32
        %dma_start3A_503 = tpu.memref_slice %arg6[%dma_start3A_501, %dma_start3A_502] : memref<200x128xf32, #tpu.memory_space<vmem>> -> memref<50x128xf32, #tpu.memory_space<vmem>>
        %dma_start3A_504 = arith.constant 0 : i32
        %dma_start3A_505 = tpu.memref_slice %arg5[%add3A_488, %dma_start3A_504] : memref<128x50xi32, #tpu.memory_space<vmem>> -> memref<1x50xi32, #tpu.memory_space<vmem>>
        %dma_start3A_506 = tpu.memref_squeeze %dma_start3A_505 : memref<1x50xi32, #tpu.memory_space<vmem>> -> memref<50xi32, #tpu.memory_space<vmem>>
        %dma_start3A_507 = arith.constant 0 : i32
        %dma_start3A_508 = arith.constant 0 : i32
        %dma_start3A_509 = tpu.memref_slice %arg3[%dma_start3A_507, %dma_start3A_508] : memref<100000x128xf32, #tpu.memory_space<hbm>> -> memref<100000x128xf32, #tpu.memory_space<hbm>>
        tpu.enqueue_indirect_dma source(%dma_start3A_509 : memref<100000x128xf32, #tpu.memory_space<hbm>>) target(%dma_start3A_503 : memref<50x128xf32, #tpu.memory_space<vmem>>) offsets(%dma_start3A_506 : memref<50xi32, #tpu.memory_space<vmem>>) semaphore(%arg12 : memref<!tpu.dma_semaphore, #tpu.memory_space<semaphore_mem>>)
        %dma_start3A_510 = arith.constant 50 : i32
        %dma_start3A_511 = arith.constant 0 : i32
        %dma_start3A_512 = tpu.memref_slice %arg6[%dma_start3A_510, %dma_start3A_511] : memref<200x128xf32, #tpu.memory_space<vmem>> -> memref<50x128xf32, #tpu.memory_space<vmem>>
        %dma_start3A_513 = arith.constant 0 : i32
        %dma_start3A_514 = tpu.memref_slice %arg5[%add3A_492, %dma_start3A_513] : memref<128x50xi32, #tpu.memory_space<vmem>> -> memref<1x50xi32, #tpu.memory_space<vmem>>
        %dma_start3A_515 = tpu.memref_squeeze %dma_start3A_514 : memref<1x50xi32, #tpu.memory_space<vmem>> -> memref<50xi32, #tpu.memory_space<vmem>>
        %dma_start3A_516 = arith.constant 0 : i32
        %dma_start3A_517 = arith.constant 0 : i32
        %dma_start3A_518 = tpu.memref_slice %arg3[%dma_start3A_516, %dma_start3A_517] : memref<100000x128xf32, #tpu.memory_space<hbm>> -> memref<100000x128xf32, #tpu.memory_space<hbm>>
        tpu.enqueue_indirect_dma source(%dma_start3A_518 : memref<100000x128xf32, #tpu.memory_space<hbm>>) target(%dma_start3A_512 : memref<50x128xf32, #tpu.memory_space<vmem>>) offsets(%dma_start3A_515 : memref<50xi32, #tpu.memory_space<vmem>>) semaphore(%arg12 : memref<!tpu.dma_semaphore, #tpu.memory_space<semaphore_mem>>)
        %dma_start3A_519 = arith.constant 100 : i32
        %dma_start3A_520 = arith.constant 0 : i32
        %dma_start3A_521 = tpu.memref_slice %arg6[%dma_start3A_519, %dma_start3A_520] : memref<200x128xf32, #tpu.memory_space<vmem>> -> memref<50x128xf32, #tpu.memory_space<vmem>>
        %dma_start3A_522 = arith.constant 0 : i32
        %dma_start3A_523 = tpu.memref_slice %arg5[%add3A_496, %dma_start3A_522] : memref<128x50xi32, #tpu.memory_space<vmem>> -> memref<1x50xi32, #tpu.memory_space<vmem>>
        %dma_start3A_524 = tpu.memref_squeeze %dma_start3A_523 : memref<1x50xi32, #tpu.memory_space<vmem>> -> memref<50xi32, #tpu.memory_space<vmem>>
        %dma_start3A_525 = arith.constant 0 : i32
        %dma_start3A_526 = arith.constant 0 : i32
        %dma_start3A_527 = tpu.memref_slice %arg3[%dma_start3A_525, %dma_start3A_526] : memref<100000x128xf32, #tpu.memory_space<hbm>> -> memref<100000x128xf32, #tpu.memory_space<hbm>>
        tpu.enqueue_indirect_dma source(%dma_start3A_527 : memref<100000x128xf32, #tpu.memory_space<hbm>>) target(%dma_start3A_521 : memref<50x128xf32, #tpu.memory_space<vmem>>) offsets(%dma_start3A_524 : memref<50xi32, #tpu.memory_space<vmem>>) semaphore(%arg12 : memref<!tpu.dma_semaphore, #tpu.memory_space<semaphore_mem>>)
        %dma_start3A_528 = arith.constant 150 : i32
        %dma_start3A_529 = arith.constant 0 : i32
        %dma_start3A_530 = tpu.memref_slice %arg6[%dma_start3A_528, %dma_start3A_529] : memref<200x128xf32, #tpu.memory_space<vmem>> -> memref<50x128xf32, #tpu.memory_space<vmem>>
        %dma_start3A_531 = arith.constant 0 : i32
        %dma_start3A_532 = tpu.memref_slice %arg5[%add3A_500, %dma_start3A_531] : memref<128x50xi32, #tpu.memory_space<vmem>> -> memref<1x50xi32, #tpu.memory_space<vmem>>
        %dma_start3A_533 = tpu.memref_squeeze %dma_start3A_532 : memref<1x50xi32, #tpu.memory_space<vmem>> -> memref<50xi32, #tpu.memory_space<vmem>>
        %dma_start3A_534 = arith.constant 0 : i32
        %dma_start3A_535 = arith.constant 0 : i32
        %dma_start3A_536 = tpu.memref_slice %arg3[%dma_start3A_534, %dma_start3A_535] : memref<100000x128xf32, #tpu.memory_space<hbm>> -> memref<100000x128xf32, #tpu.memory_space<hbm>>
        tpu.enqueue_indirect_dma source(%dma_start3A_536 : memref<100000x128xf32, #tpu.memory_space<hbm>>) target(%dma_start3A_530 : memref<50x128xf32, #tpu.memory_space<vmem>>) offsets(%dma_start3A_533 : memref<50xi32, #tpu.memory_space<vmem>>) semaphore(%arg12 : memref<!tpu.dma_semaphore, #tpu.memory_space<semaphore_mem>>)
      } else {
      }
      %ge3A_294 = arith.constant 2 : i32
      %ge3A_295 = arith.cmpi sge, %add3A_234, %ge3A_294 : i32
      %convert_element_type3A_296 = arith.extui %ge3A_295 : i1 to i32
      %cond3A_297 = arith.constant 0 : i32
      %cond3A_298 = arith.cmpi ne, %convert_element_type3A_296, %cond3A_297 : i32
      scf.if %cond3A_298 {
        %add3A_483 = arith.addi %mul3A_2, %add3A_234 : i32
        %sub3A_484 = arith.constant 2 : i32
        %sub3A_485 = arith.subi %add3A_483, %sub3A_484 : i32
        %dma_wait3A_486 = arith.constant 0 : i32
        %dma_wait3A_487 = tpu.memref_slice %arg4[%sub3A_485, %dma_wait3A_486] : memref<1024x2560xf32, #tpu.memory_space<hbm>> -> memref<1x2560xf32, #tpu.memory_space<hbm>>
        %dma_wait3A_488 = tpu.memref_squeeze %dma_wait3A_487 : memref<1x2560xf32, #tpu.memory_space<hbm>> -> memref<2560xf32, #tpu.memory_space<hbm>>
        %dma_wait3A_489 = arith.constant 0 : i32
        %dma_wait3A_490 = tpu.memref_slice %arg4[%sub3A_485, %dma_wait3A_489] : memref<1024x2560xf32, #tpu.memory_space<hbm>> -> memref<1x2560xf32, #tpu.memory_space<hbm>>
        %dma_wait3A_491 = tpu.memref_squeeze %dma_wait3A_490 : memref<1x2560xf32, #tpu.memory_space<hbm>> -> memref<2560xf32, #tpu.memory_space<hbm>>
        tpu.wait_dma2 semaphore(%arg17 : memref<!tpu.dma_semaphore, #tpu.memory_space<semaphore_mem>>) src(%arg11 : memref<2560xf32, #tpu.memory_space<vmem>>) dst(%dma_wait3A_491 : memref<2560xf32, #tpu.memory_space<hbm>>)
      } else {
      }
      %iota3A_299 = tpu.iota {dimensions = array<i32: 0>} : vector<16xi32>
      %mul3A_300 = arith.constant 10 : i32
      %mul3A_301 = vector.broadcast %mul3A_300 : i32 to vector<16xi32>
      %mul3A_302 = arith.muli %mul3A_301, %iota3A_299 : vector<16xi32>
      %broadcast_in_dim3A_303 = arith.constant 0 : i32
      %broadcast_in_dim3A_304 = vector.broadcast %broadcast_in_dim3A_303 : i32 to vector<16xi32>
      %parallel_loop3A_305 = arith.constant 0 : i32
      %parallel_loop3A_306 = arith.constant 160 : i32
      %parallel_loop3A_307 = arith.constant 1 : i32
      scf.for %parallel_loop3A_483 = %parallel_loop3A_305 to %parallel_loop3A_306 step %parallel_loop3A_307  : i32 {
        %parallel_loop3A_484 = arith.constant 160 : i32
        %parallel_loop3A_485 = arith.muli %parallel_loop3A_483, %parallel_loop3A_484 : i32
        %parallel_loop3A_486 = arith.constant 0 : i32
        %parallel_loop3A_487 = arith.addi %parallel_loop3A_485, %parallel_loop3A_486 : i32
        %parallel_loop3A_488 = vector.broadcast %parallel_loop3A_487 : i32 to vector<16xi32>
        %parallel_loop3A_489 = arith.addi %mul3A_302, %parallel_loop3A_488 : vector<16xi32>
        %parallel_loop3A_490 = tpu.vector_load_idx %arg7[%broadcast_in_dim3A_304, %parallel_loop3A_489] : memref<200x128xf32, #tpu.memory_space<vmem>>[vector<16xi32>, vector<16xi32>], vector<16xf32>,
        %parallel_loop3A_491 = arith.constant 1 : i32
        %parallel_loop3A_492 = arith.addi %parallel_loop3A_485, %parallel_loop3A_491 : i32
        %parallel_loop3A_493 = vector.broadcast %parallel_loop3A_492 : i32 to vector<16xi32>
        %parallel_loop3A_494 = arith.addi %mul3A_302, %parallel_loop3A_493 : vector<16xi32>
        %parallel_loop3A_495 = tpu.vector_load_idx %arg7[%broadcast_in_dim3A_304, %parallel_loop3A_494] : memref<200x128xf32, #tpu.memory_space<vmem>>[vector<16xi32>, vector<16xi32>], vector<16xf32>,
        %parallel_loop3A_496 = arith.addf %parallel_loop3A_490, %parallel_loop3A_495 : vector<16xf32>
        %parallel_loop3A_497 = arith.constant 2 : i32
        %parallel_loop3A_498 = arith.addi %parallel_loop3A_485, %parallel_loop3A_497 : i32
        %parallel_loop3A_499 = vector.broadcast %parallel_loop3A_498 : i32 to vector<16xi32>
        %parallel_loop3A_500 = arith.addi %mul3A_302, %parallel_loop3A_499 : vector<16xi32>
        %parallel_loop3A_501 = tpu.vector_load_idx %arg7[%broadcast_in_dim3A_304, %parallel_loop3A_500] : memref<200x128xf32, #tpu.memory_space<vmem>>[vector<16xi32>, vector<16xi32>], vector<16xf32>,
        %parallel_loop3A_502 = arith.constant 3 : i32
        %parallel_loop3A_503 = arith.addi %parallel_loop3A_485, %parallel_loop3A_502 : i32
        %parallel_loop3A_504 = vector.broadcast %parallel_loop3A_503 : i32 to vector<16xi32>
        %parallel_loop3A_505 = arith.addi %mul3A_302, %parallel_loop3A_504 : vector<16xi32>
        %parallel_loop3A_506 = tpu.vector_load_idx %arg7[%broadcast_in_dim3A_304, %parallel_loop3A_505] : memref<200x128xf32, #tpu.memory_space<vmem>>[vector<16xi32>, vector<16xi32>], vector<16xf32>,
        %parallel_loop3A_507 = arith.addf %parallel_loop3A_501, %parallel_loop3A_506 : vector<16xf32>
        %parallel_loop3A_508 = arith.addf %parallel_loop3A_496, %parallel_loop3A_507 : vector<16xf32>
        %parallel_loop3A_509 = arith.constant 4 : i32
        %parallel_loop3A_510 = arith.addi %parallel_loop3A_485, %parallel_loop3A_509 : i32
        %parallel_loop3A_511 = vector.broadcast %parallel_loop3A_510 : i32 to vector<16xi32>
        %parallel_loop3A_512 = arith.addi %mul3A_302, %parallel_loop3A_511 : vector<16xi32>
        %parallel_loop3A_513 = tpu.vector_load_idx %arg7[%broadcast_in_dim3A_304, %parallel_loop3A_512] : memref<200x128xf32, #tpu.memory_space<vmem>>[vector<16xi32>, vector<16xi32>], vector<16xf32>,
        %parallel_loop3A_514 = arith.constant 5 : i32
        %parallel_loop3A_515 = arith.addi %parallel_loop3A_485, %parallel_loop3A_514 : i32
        %parallel_loop3A_516 = vector.broadcast %parallel_loop3A_515 : i32 to vector<16xi32>
        %parallel_loop3A_517 = arith.addi %mul3A_302, %parallel_loop3A_516 : vector<16xi32>
        %parallel_loop3A_518 = tpu.vector_load_idx %arg7[%broadcast_in_dim3A_304, %parallel_loop3A_517] : memref<200x128xf32, #tpu.memory_space<vmem>>[vector<16xi32>, vector<16xi32>], vector<16xf32>,
        %parallel_loop3A_519 = arith.addf %parallel_loop3A_513, %parallel_loop3A_518 : vector<16xf32>
        %parallel_loop3A_520 = arith.constant 6 : i32
        %parallel_loop3A_521 = arith.addi %parallel_loop3A_485, %parallel_loop3A_520 : i32
        %parallel_loop3A_522 = vector.broadcast %parallel_loop3A_521 : i32 to vector<16xi32>
        %parallel_loop3A_523 = arith.addi %mul3A_302, %parallel_loop3A_522 : vector<16xi32>
        %parallel_loop3A_524 = tpu.vector_load_idx %arg7[%broadcast_in_dim3A_304, %parallel_loop3A_523] : memref<200x128xf32, #tpu.memory_space<vmem>>[vector<16xi32>, vector<16xi32>], vector<16xf32>,
        %parallel_loop3A_525 = arith.constant 7 : i32
        %parallel_loop3A_526 = arith.addi %parallel_loop3A_485, %parallel_loop3A_525 : i32
        %parallel_loop3A_527 = vector.broadcast %parallel_loop3A_526 : i32 to vector<16xi32>
        %parallel_loop3A_528 = arith.addi %mul3A_302, %parallel_loop3A_527 : vector<16xi32>
        %parallel_loop3A_529 = tpu.vector_load_idx %arg7[%broadcast_in_dim3A_304, %parallel_loop3A_528] : memref<200x128xf32, #tpu.memory_space<vmem>>[vector<16xi32>, vector<16xi32>], vector<16xf32>,
        %parallel_loop3A_530 = arith.addf %parallel_loop3A_524, %parallel_loop3A_529 : vector<16xf32>
        %parallel_loop3A_531 = arith.addf %parallel_loop3A_519, %parallel_loop3A_530 : vector<16xf32>
        %parallel_loop3A_532 = arith.constant 8 : i32
        %parallel_loop3A_533 = arith.addi %parallel_loop3A_485, %parallel_loop3A_532 : i32
        %parallel_loop3A_534 = vector.broadcast %parallel_loop3A_533 : i32 to vector<16xi32>
        %parallel_loop3A_535 = arith.addi %mul3A_302, %parallel_loop3A_534 : vector<16xi32>
        %parallel_loop3A_536 = tpu.vector_load_idx %arg7[%broadcast_in_dim3A_304, %parallel_loop3A_535] : memref<200x128xf32, #tpu.memory_space<vmem>>[vector<16xi32>, vector<16xi32>], vector<16xf32>,
        %parallel_loop3A_537 = arith.constant 9 : i32
        %parallel_loop3A_538 = arith.addi %parallel_loop3A_485, %parallel_loop3A_537 : i32
        %parallel_loop3A_539 = vector.broadcast %parallel_loop3A_538 : i32 to vector<16xi32>
        %parallel_loop3A_540 = arith.addi %mul3A_302, %parallel_loop3A_539 : vector<16xi32>
        %parallel_loop3A_541 = tpu.vector_load_idx %arg7[%broadcast_in_dim3A_304, %parallel_loop3A_540] : memref<200x128xf32, #tpu.memory_space<vmem>>[vector<16xi32>, vector<16xi32>], vector<16xf32>,
        %parallel_loop3A_542 = arith.addf %parallel_loop3A_536, %parallel_loop3A_541 : vector<16xf32>
        %parallel_loop3A_543 = arith.addf %parallel_loop3A_531, %parallel_loop3A_542 : vector<16xf32>
        %parallel_loop3A_544 = arith.addf %parallel_loop3A_508, %parallel_loop3A_543 : vector<16xf32>
        %parallel_loop3A_545 = arith.constant 1.000000e-01 : f32
        %parallel_loop3A_546 = vector.broadcast %parallel_loop3A_545 : f32 to vector<16xf32>
        %parallel_loop3A_547 = arith.mulf %parallel_loop3A_544, %parallel_loop3A_546 : vector<16xf32>
        %parallel_loop3A_548 = arith.constant 16 : i32
        %parallel_loop3A_549 = arith.muli %parallel_loop3A_483, %parallel_loop3A_548 : i32
        %parallel_loop3A_550 = arith.index_cast %parallel_loop3A_549 : i32 to index
        %parallel_loop3A_551 = tpu.vector_load %arg11[%parallel_loop3A_550] {strides = array<i32>} : memref<2560xf32, #tpu.memory_space<vmem>>, vector<16xf32>,
        tpu.vector_store %arg11[%parallel_loop3A_550], %parallel_loop3A_547 {strides = array<i32>} : memref<2560xf32, #tpu.memory_space<vmem>>, vector<16xf32>,
      } {sc.loop_unroll_factor = 4 : i64, sc.parallel_access}
      %add3A_308 = arith.addi %mul3A_2, %add3A_234 : i32
      %dma_start3A_309 = arith.constant 0 : i32
      %dma_start3A_310 = tpu.memref_slice %arg4[%add3A_308, %dma_start3A_309] : memref<1024x2560xf32, #tpu.memory_space<hbm>> -> memref<1x2560xf32, #tpu.memory_space<hbm>>
      %dma_start3A_311 = tpu.memref_squeeze %dma_start3A_310 : memref<1x2560xf32, #tpu.memory_space<hbm>> -> memref<2560xf32, #tpu.memory_space<hbm>>
      %dma_start3A_312 = arith.constant 0 : i32
      %dma_start3A_313 = tpu.memref_slice %arg4[%add3A_308, %dma_start3A_312] : memref<1024x2560xf32, #tpu.memory_space<hbm>> -> memref<1x2560xf32, #tpu.memory_space<hbm>>
      %dma_start3A_314 = tpu.memref_squeeze %dma_start3A_313 : memref<1x2560xf32, #tpu.memory_space<hbm>> -> memref<2560xf32, #tpu.memory_space<hbm>>
      tpu.enqueue_dma source(%arg11 : memref<2560xf32, #tpu.memory_space<vmem>>) target(%dma_start3A_314 : memref<2560xf32, #tpu.memory_space<hbm>>) target_semaphore(%arg17 : memref<!tpu.dma_semaphore, #tpu.memory_space<semaphore_mem>>)
      %mul3A_315 = arith.constant 4 : i32
      %mul3A_316 = arith.muli %mul3A_315, %scan3A_153 : i32
      %add3A_317 = arith.constant 2 : i32
      %add3A_318 = arith.addi %mul3A_316, %add3A_317 : i32
      %mul3A_319 = arith.constant 4 : i32
      %mul3A_320 = arith.muli %mul3A_319, %add3A_318 : i32
      %add3A_321 = arith.constant 0 : i32
      %add3A_322 = arith.addi %mul3A_320, %add3A_321 : i32
      %mul3A_323 = arith.constant 4 : i32
      %mul3A_324 = arith.muli %mul3A_323, %add3A_318 : i32
      %add3A_325 = arith.constant 1 : i32
      %add3A_326 = arith.addi %mul3A_324, %add3A_325 : i32
      %mul3A_327 = arith.constant 4 : i32
      %mul3A_328 = arith.muli %mul3A_327, %add3A_318 : i32
      %add3A_329 = arith.constant 2 : i32
      %add3A_330 = arith.addi %mul3A_328, %add3A_329 : i32
      %mul3A_331 = arith.constant 4 : i32
      %mul3A_332 = arith.muli %mul3A_331, %add3A_318 : i32
      %add3A_333 = arith.constant 3 : i32
      %add3A_334 = arith.addi %mul3A_332, %add3A_333 : i32
      %dma_wait3A_335 = arith.constant 0 : i32
      %dma_wait3A_336 = arith.constant 0 : i32
      %dma_wait3A_337 = tpu.memref_slice %arg8[%dma_wait3A_335, %dma_wait3A_336] : memref<200x128xf32, #tpu.memory_space<vmem>> -> memref<50x128xf32, #tpu.memory_space<vmem>>
      %dma_wait3A_338 = arith.constant 0 : i32
      %dma_wait3A_339 = tpu.memref_slice %arg5[%add3A_322, %dma_wait3A_338] : memref<128x50xi32, #tpu.memory_space<vmem>> -> memref<1x50xi32, #tpu.memory_space<vmem>>
      %dma_wait3A_340 = tpu.memref_squeeze %dma_wait3A_339 : memref<1x50xi32, #tpu.memory_space<vmem>> -> memref<50xi32, #tpu.memory_space<vmem>>
      %dma_wait3A_341 = arith.constant 0 : i32
      %dma_wait3A_342 = arith.constant 0 : i32
      %dma_wait3A_343 = tpu.memref_slice %arg3[%dma_wait3A_341, %dma_wait3A_342] : memref<100000x128xf32, #tpu.memory_space<hbm>> -> memref<100000x128xf32, #tpu.memory_space<hbm>>
      tpu.wait_indirect_dma semaphore(%arg14 : memref<!tpu.dma_semaphore, #tpu.memory_space<semaphore_mem>>) src(%dma_wait3A_343 : memref<100000x128xf32, #tpu.memory_space<hbm>>) dst(%dma_wait3A_337 : memref<50x128xf32, #tpu.memory_space<vmem>>)
      %dma_wait3A_344 = arith.constant 50 : i32
      %dma_wait3A_345 = arith.constant 0 : i32
      %dma_wait3A_346 = tpu.memref_slice %arg8[%dma_wait3A_344, %dma_wait3A_345] : memref<200x128xf32, #tpu.memory_space<vmem>> -> memref<50x128xf32, #tpu.memory_space<vmem>>
      %dma_wait3A_347 = arith.constant 0 : i32
      %dma_wait3A_348 = tpu.memref_slice %arg5[%add3A_326, %dma_wait3A_347] : memref<128x50xi32, #tpu.memory_space<vmem>> -> memref<1x50xi32, #tpu.memory_space<vmem>>
      %dma_wait3A_349 = tpu.memref_squeeze %dma_wait3A_348 : memref<1x50xi32, #tpu.memory_space<vmem>> -> memref<50xi32, #tpu.memory_space<vmem>>
      %dma_wait3A_350 = arith.constant 0 : i32
      %dma_wait3A_351 = arith.constant 0 : i32
      %dma_wait3A_352 = tpu.memref_slice %arg3[%dma_wait3A_350, %dma_wait3A_351] : memref<100000x128xf32, #tpu.memory_space<hbm>> -> memref<100000x128xf32, #tpu.memory_space<hbm>>
      tpu.wait_indirect_dma semaphore(%arg14 : memref<!tpu.dma_semaphore, #tpu.memory_space<semaphore_mem>>) src(%dma_wait3A_352 : memref<100000x128xf32, #tpu.memory_space<hbm>>) dst(%dma_wait3A_346 : memref<50x128xf32, #tpu.memory_space<vmem>>)
      %dma_wait3A_353 = arith.constant 100 : i32
      %dma_wait3A_354 = arith.constant 0 : i32
      %dma_wait3A_355 = tpu.memref_slice %arg8[%dma_wait3A_353, %dma_wait3A_354] : memref<200x128xf32, #tpu.memory_space<vmem>> -> memref<50x128xf32, #tpu.memory_space<vmem>>
      %dma_wait3A_356 = arith.constant 0 : i32
      %dma_wait3A_357 = tpu.memref_slice %arg5[%add3A_330, %dma_wait3A_356] : memref<128x50xi32, #tpu.memory_space<vmem>> -> memref<1x50xi32, #tpu.memory_space<vmem>>
      %dma_wait3A_358 = tpu.memref_squeeze %dma_wait3A_357 : memref<1x50xi32, #tpu.memory_space<vmem>> -> memref<50xi32, #tpu.memory_space<vmem>>
      %dma_wait3A_359 = arith.constant 0 : i32
      %dma_wait3A_360 = arith.constant 0 : i32
      %dma_wait3A_361 = tpu.memref_slice %arg3[%dma_wait3A_359, %dma_wait3A_360] : memref<100000x128xf32, #tpu.memory_space<hbm>> -> memref<100000x128xf32, #tpu.memory_space<hbm>>
      tpu.wait_indirect_dma semaphore(%arg14 : memref<!tpu.dma_semaphore, #tpu.memory_space<semaphore_mem>>) src(%dma_wait3A_361 : memref<100000x128xf32, #tpu.memory_space<hbm>>) dst(%dma_wait3A_355 : memref<50x128xf32, #tpu.memory_space<vmem>>)
      %dma_wait3A_362 = arith.constant 150 : i32
      %dma_wait3A_363 = arith.constant 0 : i32
      %dma_wait3A_364 = tpu.memref_slice %arg8[%dma_wait3A_362, %dma_wait3A_363] : memref<200x128xf32, #tpu.memory_space<vmem>> -> memref<50x128xf32, #tpu.memory_space<vmem>>
      %dma_wait3A_365 = arith.constant 0 : i32
      %dma_wait3A_366 = tpu.memref_slice %arg5[%add3A_334, %dma_wait3A_365] : memref<128x50xi32, #tpu.memory_space<vmem>> -> memref<1x50xi32, #tpu.memory_space<vmem>>
      %dma_wait3A_367 = tpu.memref_squeeze %dma_wait3A_366 : memref<1x50xi32, #tpu.memory_space<vmem>> -> memref<50xi32, #tpu.memory_space<vmem>>
      %dma_wait3A_368 = arith.constant 0 : i32
      %dma_wait3A_369 = arith.constant 0 : i32
      %dma_wait3A_370 = tpu.memref_slice %arg3[%dma_wait3A_368, %dma_wait3A_369] : memref<100000x128xf32, #tpu.memory_space<hbm>> -> memref<100000x128xf32, #tpu.memory_space<hbm>>
      tpu.wait_indirect_dma semaphore(%arg14 : memref<!tpu.dma_semaphore, #tpu.memory_space<semaphore_mem>>) src(%dma_wait3A_370 : memref<100000x128xf32, #tpu.memory_space<hbm>>) dst(%dma_wait3A_364 : memref<50x128xf32, #tpu.memory_space<vmem>>)
      %add3A_371 = arith.constant 3 : i32
      %add3A_372 = arith.addi %add3A_318, %add3A_371 : i32
      %lt3A_373 = arith.constant 32 : i32
      %lt3A_374 = arith.cmpi slt, %add3A_372, %lt3A_373 : i32
      %convert_element_type3A_375 = arith.extui %lt3A_374 : i1 to i32
      %cond3A_376 = arith.constant 0 : i32
      %cond3A_377 = arith.cmpi ne, %convert_element_type3A_375, %cond3A_376 : i32
      scf.if %cond3A_377 {
        %add3A_483 = arith.constant 3 : i32
        %add3A_484 = arith.addi %add3A_318, %add3A_483 : i32
        %mul3A_485 = arith.constant 4 : i32
        %mul3A_486 = arith.muli %mul3A_485, %add3A_484 : i32
        %add3A_487 = arith.constant 0 : i32
        %add3A_488 = arith.addi %mul3A_486, %add3A_487 : i32
        %mul3A_489 = arith.constant 4 : i32
        %mul3A_490 = arith.muli %mul3A_489, %add3A_484 : i32
        %add3A_491 = arith.constant 1 : i32
        %add3A_492 = arith.addi %mul3A_490, %add3A_491 : i32
        %mul3A_493 = arith.constant 4 : i32
        %mul3A_494 = arith.muli %mul3A_493, %add3A_484 : i32
        %add3A_495 = arith.constant 2 : i32
        %add3A_496 = arith.addi %mul3A_494, %add3A_495 : i32
        %mul3A_497 = arith.constant 4 : i32
        %mul3A_498 = arith.muli %mul3A_497, %add3A_484 : i32
        %add3A_499 = arith.constant 3 : i32
        %add3A_500 = arith.addi %mul3A_498, %add3A_499 : i32
        %dma_start3A_501 = arith.constant 0 : i32
        %dma_start3A_502 = arith.constant 0 : i32
        %dma_start3A_503 = tpu.memref_slice %arg7[%dma_start3A_501, %dma_start3A_502] : memref<200x128xf32, #tpu.memory_space<vmem>> -> memref<50x128xf32, #tpu.memory_space<vmem>>
        %dma_start3A_504 = arith.constant 0 : i32
        %dma_start3A_505 = tpu.memref_slice %arg5[%add3A_488, %dma_start3A_504] : memref<128x50xi32, #tpu.memory_space<vmem>> -> memref<1x50xi32, #tpu.memory_space<vmem>>
        %dma_start3A_506 = tpu.memref_squeeze %dma_start3A_505 : memref<1x50xi32, #tpu.memory_space<vmem>> -> memref<50xi32, #tpu.memory_space<vmem>>
        %dma_start3A_507 = arith.constant 0 : i32
        %dma_start3A_508 = arith.constant 0 : i32
        %dma_start3A_509 = tpu.memref_slice %arg3[%dma_start3A_507, %dma_start3A_508] : memref<100000x128xf32, #tpu.memory_space<hbm>> -> memref<100000x128xf32, #tpu.memory_space<hbm>>
        tpu.enqueue_indirect_dma source(%dma_start3A_509 : memref<100000x128xf32, #tpu.memory_space<hbm>>) target(%dma_start3A_503 : memref<50x128xf32, #tpu.memory_space<vmem>>) offsets(%dma_start3A_506 : memref<50xi32, #tpu.memory_space<vmem>>) semaphore(%arg13 : memref<!tpu.dma_semaphore, #tpu.memory_space<semaphore_mem>>)
        %dma_start3A_510 = arith.constant 50 : i32
        %dma_start3A_511 = arith.constant 0 : i32
        %dma_start3A_512 = tpu.memref_slice %arg7[%dma_start3A_510, %dma_start3A_511] : memref<200x128xf32, #tpu.memory_space<vmem>> -> memref<50x128xf32, #tpu.memory_space<vmem>>
        %dma_start3A_513 = arith.constant 0 : i32
        %dma_start3A_514 = tpu.memref_slice %arg5[%add3A_492, %dma_start3A_513] : memref<128x50xi32, #tpu.memory_space<vmem>> -> memref<1x50xi32, #tpu.memory_space<vmem>>
        %dma_start3A_515 = tpu.memref_squeeze %dma_start3A_514 : memref<1x50xi32, #tpu.memory_space<vmem>> -> memref<50xi32, #tpu.memory_space<vmem>>
        %dma_start3A_516 = arith.constant 0 : i32
        %dma_start3A_517 = arith.constant 0 : i32
        %dma_start3A_518 = tpu.memref_slice %arg3[%dma_start3A_516, %dma_start3A_517] : memref<100000x128xf32, #tpu.memory_space<hbm>> -> memref<100000x128xf32, #tpu.memory_space<hbm>>
        tpu.enqueue_indirect_dma source(%dma_start3A_518 : memref<100000x128xf32, #tpu.memory_space<hbm>>) target(%dma_start3A_512 : memref<50x128xf32, #tpu.memory_space<vmem>>) offsets(%dma_start3A_515 : memref<50xi32, #tpu.memory_space<vmem>>) semaphore(%arg13 : memref<!tpu.dma_semaphore, #tpu.memory_space<semaphore_mem>>)
        %dma_start3A_519 = arith.constant 100 : i32
        %dma_start3A_520 = arith.constant 0 : i32
        %dma_start3A_521 = tpu.memref_slice %arg7[%dma_start3A_519, %dma_start3A_520] : memref<200x128xf32, #tpu.memory_space<vmem>> -> memref<50x128xf32, #tpu.memory_space<vmem>>
        %dma_start3A_522 = arith.constant 0 : i32
        %dma_start3A_523 = tpu.memref_slice %arg5[%add3A_496, %dma_start3A_522] : memref<128x50xi32, #tpu.memory_space<vmem>> -> memref<1x50xi32, #tpu.memory_space<vmem>>
        %dma_start3A_524 = tpu.memref_squeeze %dma_start3A_523 : memref<1x50xi32, #tpu.memory_space<vmem>> -> memref<50xi32, #tpu.memory_space<vmem>>
        %dma_start3A_525 = arith.constant 0 : i32
        %dma_start3A_526 = arith.constant 0 : i32
        %dma_start3A_527 = tpu.memref_slice %arg3[%dma_start3A_525, %dma_start3A_526] : memref<100000x128xf32, #tpu.memory_space<hbm>> -> memref<100000x128xf32, #tpu.memory_space<hbm>>
        tpu.enqueue_indirect_dma source(%dma_start3A_527 : memref<100000x128xf32, #tpu.memory_space<hbm>>) target(%dma_start3A_521 : memref<50x128xf32, #tpu.memory_space<vmem>>) offsets(%dma_start3A_524 : memref<50xi32, #tpu.memory_space<vmem>>) semaphore(%arg13 : memref<!tpu.dma_semaphore, #tpu.memory_space<semaphore_mem>>)
        %dma_start3A_528 = arith.constant 150 : i32
        %dma_start3A_529 = arith.constant 0 : i32
        %dma_start3A_530 = tpu.memref_slice %arg7[%dma_start3A_528, %dma_start3A_529] : memref<200x128xf32, #tpu.memory_space<vmem>> -> memref<50x128xf32, #tpu.memory_space<vmem>>
        %dma_start3A_531 = arith.constant 0 : i32
        %dma_start3A_532 = tpu.memref_slice %arg5[%add3A_500, %dma_start3A_531] : memref<128x50xi32, #tpu.memory_space<vmem>> -> memref<1x50xi32, #tpu.memory_space<vmem>>
        %dma_start3A_533 = tpu.memref_squeeze %dma_start3A_532 : memref<1x50xi32, #tpu.memory_space<vmem>> -> memref<50xi32, #tpu.memory_space<vmem>>
        %dma_start3A_534 = arith.constant 0 : i32
        %dma_start3A_535 = arith.constant 0 : i32
        %dma_start3A_536 = tpu.memref_slice %arg3[%dma_start3A_534, %dma_start3A_535] : memref<100000x128xf32, #tpu.memory_space<hbm>> -> memref<100000x128xf32, #tpu.memory_space<hbm>>
        tpu.enqueue_indirect_dma source(%dma_start3A_536 : memref<100000x128xf32, #tpu.memory_space<hbm>>) target(%dma_start3A_530 : memref<50x128xf32, #tpu.memory_space<vmem>>) offsets(%dma_start3A_533 : memref<50xi32, #tpu.memory_space<vmem>>) semaphore(%arg13 : memref<!tpu.dma_semaphore, #tpu.memory_space<semaphore_mem>>)
      } else {
      }
      %ge3A_378 = arith.constant 2 : i32
      %ge3A_379 = arith.cmpi sge, %add3A_318, %ge3A_378 : i32
      %convert_element_type3A_380 = arith.extui %ge3A_379 : i1 to i32
      %cond3A_381 = arith.constant 0 : i32
      %cond3A_382 = arith.cmpi ne, %convert_element_type3A_380, %cond3A_381 : i32
      scf.if %cond3A_382 {
        %add3A_483 = arith.addi %mul3A_2, %add3A_318 : i32
        %sub3A_484 = arith.constant 2 : i32
        %sub3A_485 = arith.subi %add3A_483, %sub3A_484 : i32
        %dma_wait3A_486 = arith.constant 0 : i32
        %dma_wait3A_487 = tpu.memref_slice %arg4[%sub3A_485, %dma_wait3A_486] : memref<1024x2560xf32, #tpu.memory_space<hbm>> -> memref<1x2560xf32, #tpu.memory_space<hbm>>
        %dma_wait3A_488 = tpu.memref_squeeze %dma_wait3A_487 : memref<1x2560xf32, #tpu.memory_space<hbm>> -> memref<2560xf32, #tpu.memory_space<hbm>>
        %dma_wait3A_489 = arith.constant 0 : i32
        %dma_wait3A_490 = tpu.memref_slice %arg4[%sub3A_485, %dma_wait3A_489] : memref<1024x2560xf32, #tpu.memory_space<hbm>> -> memref<1x2560xf32, #tpu.memory_space<hbm>>
        %dma_wait3A_491 = tpu.memref_squeeze %dma_wait3A_490 : memref<1x2560xf32, #tpu.memory_space<hbm>> -> memref<2560xf32, #tpu.memory_space<hbm>>
        tpu.wait_dma2 semaphore(%arg16 : memref<!tpu.dma_semaphore, #tpu.memory_space<semaphore_mem>>) src(%arg10 : memref<2560xf32, #tpu.memory_space<vmem>>) dst(%dma_wait3A_491 : memref<2560xf32, #tpu.memory_space<hbm>>)
      } else {
      }
      %iota3A_383 = tpu.iota {dimensions = array<i32: 0>} : vector<16xi32>
      %mul3A_384 = arith.constant 10 : i32
      %mul3A_385 = vector.broadcast %mul3A_384 : i32 to vector<16xi32>
      %mul3A_386 = arith.muli %mul3A_385, %iota3A_383 : vector<16xi32>
      %broadcast_in_dim3A_387 = arith.constant 0 : i32
      %broadcast_in_dim3A_388 = vector.broadcast %broadcast_in_dim3A_387 : i32 to vector<16xi32>
      %parallel_loop3A_389 = arith.constant 0 : i32
      %parallel_loop3A_390 = arith.constant 160 : i32
      %parallel_loop3A_391 = arith.constant 1 : i32
      scf.for %parallel_loop3A_483 = %parallel_loop3A_389 to %parallel_loop3A_390 step %parallel_loop3A_391  : i32 {
        %parallel_loop3A_484 = arith.constant 160 : i32
        %parallel_loop3A_485 = arith.muli %parallel_loop3A_483, %parallel_loop3A_484 : i32
        %parallel_loop3A_486 = arith.constant 0 : i32
        %parallel_loop3A_487 = arith.addi %parallel_loop3A_485, %parallel_loop3A_486 : i32
        %parallel_loop3A_488 = vector.broadcast %parallel_loop3A_487 : i32 to vector<16xi32>
        %parallel_loop3A_489 = arith.addi %mul3A_386, %parallel_loop3A_488 : vector<16xi32>
        %parallel_loop3A_490 = tpu.vector_load_idx %arg8[%broadcast_in_dim3A_388, %parallel_loop3A_489] : memref<200x128xf32, #tpu.memory_space<vmem>>[vector<16xi32>, vector<16xi32>], vector<16xf32>,
        %parallel_loop3A_491 = arith.constant 1 : i32
        %parallel_loop3A_492 = arith.addi %parallel_loop3A_485, %parallel_loop3A_491 : i32
        %parallel_loop3A_493 = vector.broadcast %parallel_loop3A_492 : i32 to vector<16xi32>
        %parallel_loop3A_494 = arith.addi %mul3A_386, %parallel_loop3A_493 : vector<16xi32>
        %parallel_loop3A_495 = tpu.vector_load_idx %arg8[%broadcast_in_dim3A_388, %parallel_loop3A_494] : memref<200x128xf32, #tpu.memory_space<vmem>>[vector<16xi32>, vector<16xi32>], vector<16xf32>,
        %parallel_loop3A_496 = arith.addf %parallel_loop3A_490, %parallel_loop3A_495 : vector<16xf32>
        %parallel_loop3A_497 = arith.constant 2 : i32
        %parallel_loop3A_498 = arith.addi %parallel_loop3A_485, %parallel_loop3A_497 : i32
        %parallel_loop3A_499 = vector.broadcast %parallel_loop3A_498 : i32 to vector<16xi32>
        %parallel_loop3A_500 = arith.addi %mul3A_386, %parallel_loop3A_499 : vector<16xi32>
        %parallel_loop3A_501 = tpu.vector_load_idx %arg8[%broadcast_in_dim3A_388, %parallel_loop3A_500] : memref<200x128xf32, #tpu.memory_space<vmem>>[vector<16xi32>, vector<16xi32>], vector<16xf32>,
        %parallel_loop3A_502 = arith.constant 3 : i32
        %parallel_loop3A_503 = arith.addi %parallel_loop3A_485, %parallel_loop3A_502 : i32
        %parallel_loop3A_504 = vector.broadcast %parallel_loop3A_503 : i32 to vector<16xi32>
        %parallel_loop3A_505 = arith.addi %mul3A_386, %parallel_loop3A_504 : vector<16xi32>
        %parallel_loop3A_506 = tpu.vector_load_idx %arg8[%broadcast_in_dim3A_388, %parallel_loop3A_505] : memref<200x128xf32, #tpu.memory_space<vmem>>[vector<16xi32>, vector<16xi32>], vector<16xf32>,
        %parallel_loop3A_507 = arith.addf %parallel_loop3A_501, %parallel_loop3A_506 : vector<16xf32>
        %parallel_loop3A_508 = arith.addf %parallel_loop3A_496, %parallel_loop3A_507 : vector<16xf32>
        %parallel_loop3A_509 = arith.constant 4 : i32
        %parallel_loop3A_510 = arith.addi %parallel_loop3A_485, %parallel_loop3A_509 : i32
        %parallel_loop3A_511 = vector.broadcast %parallel_loop3A_510 : i32 to vector<16xi32>
        %parallel_loop3A_512 = arith.addi %mul3A_386, %parallel_loop3A_511 : vector<16xi32>
        %parallel_loop3A_513 = tpu.vector_load_idx %arg8[%broadcast_in_dim3A_388, %parallel_loop3A_512] : memref<200x128xf32, #tpu.memory_space<vmem>>[vector<16xi32>, vector<16xi32>], vector<16xf32>,
        %parallel_loop3A_514 = arith.constant 5 : i32
        %parallel_loop3A_515 = arith.addi %parallel_loop3A_485, %parallel_loop3A_514 : i32
        %parallel_loop3A_516 = vector.broadcast %parallel_loop3A_515 : i32 to vector<16xi32>
        %parallel_loop3A_517 = arith.addi %mul3A_386, %parallel_loop3A_516 : vector<16xi32>
        %parallel_loop3A_518 = tpu.vector_load_idx %arg8[%broadcast_in_dim3A_388, %parallel_loop3A_517] : memref<200x128xf32, #tpu.memory_space<vmem>>[vector<16xi32>, vector<16xi32>], vector<16xf32>,
        %parallel_loop3A_519 = arith.addf %parallel_loop3A_513, %parallel_loop3A_518 : vector<16xf32>
        %parallel_loop3A_520 = arith.constant 6 : i32
        %parallel_loop3A_521 = arith.addi %parallel_loop3A_485, %parallel_loop3A_520 : i32
        %parallel_loop3A_522 = vector.broadcast %parallel_loop3A_521 : i32 to vector<16xi32>
        %parallel_loop3A_523 = arith.addi %mul3A_386, %parallel_loop3A_522 : vector<16xi32>
        %parallel_loop3A_524 = tpu.vector_load_idx %arg8[%broadcast_in_dim3A_388, %parallel_loop3A_523] : memref<200x128xf32, #tpu.memory_space<vmem>>[vector<16xi32>, vector<16xi32>], vector<16xf32>,
        %parallel_loop3A_525 = arith.constant 7 : i32
        %parallel_loop3A_526 = arith.addi %parallel_loop3A_485, %parallel_loop3A_525 : i32
        %parallel_loop3A_527 = vector.broadcast %parallel_loop3A_526 : i32 to vector<16xi32>
        %parallel_loop3A_528 = arith.addi %mul3A_386, %parallel_loop3A_527 : vector<16xi32>
        %parallel_loop3A_529 = tpu.vector_load_idx %arg8[%broadcast_in_dim3A_388, %parallel_loop3A_528] : memref<200x128xf32, #tpu.memory_space<vmem>>[vector<16xi32>, vector<16xi32>], vector<16xf32>,
        %parallel_loop3A_530 = arith.addf %parallel_loop3A_524, %parallel_loop3A_529 : vector<16xf32>
        %parallel_loop3A_531 = arith.addf %parallel_loop3A_519, %parallel_loop3A_530 : vector<16xf32>
        %parallel_loop3A_532 = arith.constant 8 : i32
        %parallel_loop3A_533 = arith.addi %parallel_loop3A_485, %parallel_loop3A_532 : i32
        %parallel_loop3A_534 = vector.broadcast %parallel_loop3A_533 : i32 to vector<16xi32>
        %parallel_loop3A_535 = arith.addi %mul3A_386, %parallel_loop3A_534 : vector<16xi32>
        %parallel_loop3A_536 = tpu.vector_load_idx %arg8[%broadcast_in_dim3A_388, %parallel_loop3A_535] : memref<200x128xf32, #tpu.memory_space<vmem>>[vector<16xi32>, vector<16xi32>], vector<16xf32>,
        %parallel_loop3A_537 = arith.constant 9 : i32
        %parallel_loop3A_538 = arith.addi %parallel_loop3A_485, %parallel_loop3A_537 : i32
        %parallel_loop3A_539 = vector.broadcast %parallel_loop3A_538 : i32 to vector<16xi32>
        %parallel_loop3A_540 = arith.addi %mul3A_386, %parallel_loop3A_539 : vector<16xi32>
        %parallel_loop3A_541 = tpu.vector_load_idx %arg8[%broadcast_in_dim3A_388, %parallel_loop3A_540] : memref<200x128xf32, #tpu.memory_space<vmem>>[vector<16xi32>, vector<16xi32>], vector<16xf32>,
        %parallel_loop3A_542 = arith.addf %parallel_loop3A_536, %parallel_loop3A_541 : vector<16xf32>
        %parallel_loop3A_543 = arith.addf %parallel_loop3A_531, %parallel_loop3A_542 : vector<16xf32>
        %parallel_loop3A_544 = arith.addf %parallel_loop3A_508, %parallel_loop3A_543 : vector<16xf32>
        %parallel_loop3A_545 = arith.constant 1.000000e-01 : f32
        %parallel_loop3A_546 = vector.broadcast %parallel_loop3A_545 : f32 to vector<16xf32>
        %parallel_loop3A_547 = arith.mulf %parallel_loop3A_544, %parallel_loop3A_546 : vector<16xf32>
        %parallel_loop3A_548 = arith.constant 16 : i32
        %parallel_loop3A_549 = arith.muli %parallel_loop3A_483, %parallel_loop3A_548 : i32
        %parallel_loop3A_550 = arith.index_cast %parallel_loop3A_549 : i32 to index
        %parallel_loop3A_551 = tpu.vector_load %arg10[%parallel_loop3A_550] {strides = array<i32>} : memref<2560xf32, #tpu.memory_space<vmem>>, vector<16xf32>,
        tpu.vector_store %arg10[%parallel_loop3A_550], %parallel_loop3A_547 {strides = array<i32>} : memref<2560xf32, #tpu.memory_space<vmem>>, vector<16xf32>,
      } {sc.loop_unroll_factor = 4 : i64, sc.parallel_access}
      %add3A_392 = arith.addi %mul3A_2, %add3A_318 : i32
      %dma_start3A_393 = arith.constant 0 : i32
      %dma_start3A_394 = tpu.memref_slice %arg4[%add3A_392, %dma_start3A_393] : memref<1024x2560xf32, #tpu.memory_space<hbm>> -> memref<1x2560xf32, #tpu.memory_space<hbm>>
      %dma_start3A_395 = tpu.memref_squeeze %dma_start3A_394 : memref<1x2560xf32, #tpu.memory_space<hbm>> -> memref<2560xf32, #tpu.memory_space<hbm>>
      %dma_start3A_396 = arith.constant 0 : i32
      %dma_start3A_397 = tpu.memref_slice %arg4[%add3A_392, %dma_start3A_396] : memref<1024x2560xf32, #tpu.memory_space<hbm>> -> memref<1x2560xf32, #tpu.memory_space<hbm>>
      %dma_start3A_398 = tpu.memref_squeeze %dma_start3A_397 : memref<1x2560xf32, #tpu.memory_space<hbm>> -> memref<2560xf32, #tpu.memory_space<hbm>>
      tpu.enqueue_dma source(%arg10 : memref<2560xf32, #tpu.memory_space<vmem>>) target(%dma_start3A_398 : memref<2560xf32, #tpu.memory_space<hbm>>) target_semaphore(%arg16 : memref<!tpu.dma_semaphore, #tpu.memory_space<semaphore_mem>>)
      %mul3A_399 = arith.constant 4 : i32
      %mul3A_400 = arith.muli %mul3A_399, %scan3A_153 : i32
      %add3A_401 = arith.constant 3 : i32
      %add3A_402 = arith.addi %mul3A_400, %add3A_401 : i32
      %mul3A_403 = arith.constant 4 : i32
      %mul3A_404 = arith.muli %mul3A_403, %add3A_402 : i32
      %add3A_405 = arith.constant 0 : i32
      %add3A_406 = arith.addi %mul3A_404, %add3A_405 : i32
      %mul3A_407 = arith.constant 4 : i32
      %mul3A_408 = arith.muli %mul3A_407, %add3A_402 : i32
      %add3A_409 = arith.constant 1 : i32
      %add3A_410 = arith.addi %mul3A_408, %add3A_409 : i32
      %mul3A_411 = arith.constant 4 : i32
      %mul3A_412 = arith.muli %mul3A_411, %add3A_402 : i32
      %add3A_413 = arith.constant 2 : i32
      %add3A_414 = arith.addi %mul3A_412, %add3A_413 : i32
      %mul3A_415 = arith.constant 4 : i32
      %mul3A_416 = arith.muli %mul3A_415, %add3A_402 : i32
      %add3A_417 = arith.constant 3 : i32
      %add3A_418 = arith.addi %mul3A_416, %add3A_417 : i32
      %dma_wait3A_419 = arith.constant 0 : i32
      %dma_wait3A_420 = arith.constant 0 : i32
      %dma_wait3A_421 = tpu.memref_slice %arg9[%dma_wait3A_419, %dma_wait3A_420] : memref<200x128xf32, #tpu.memory_space<vmem>> -> memref<50x128xf32, #tpu.memory_space<vmem>>
      %dma_wait3A_422 = arith.constant 0 : i32
      %dma_wait3A_423 = tpu.memref_slice %arg5[%add3A_406, %dma_wait3A_422] : memref<128x50xi32, #tpu.memory_space<vmem>> -> memref<1x50xi32, #tpu.memory_space<vmem>>
      %dma_wait3A_424 = tpu.memref_squeeze %dma_wait3A_423 : memref<1x50xi32, #tpu.memory_space<vmem>> -> memref<50xi32, #tpu.memory_space<vmem>>
      %dma_wait3A_425 = arith.constant 0 : i32
      %dma_wait3A_426 = arith.constant 0 : i32
      %dma_wait3A_427 = tpu.memref_slice %arg3[%dma_wait3A_425, %dma_wait3A_426] : memref<100000x128xf32, #tpu.memory_space<hbm>> -> memref<100000x128xf32, #tpu.memory_space<hbm>>
      tpu.wait_indirect_dma semaphore(%arg15 : memref<!tpu.dma_semaphore, #tpu.memory_space<semaphore_mem>>) src(%dma_wait3A_427 : memref<100000x128xf32, #tpu.memory_space<hbm>>) dst(%dma_wait3A_421 : memref<50x128xf32, #tpu.memory_space<vmem>>)
      %dma_wait3A_428 = arith.constant 50 : i32
      %dma_wait3A_429 = arith.constant 0 : i32
      %dma_wait3A_430 = tpu.memref_slice %arg9[%dma_wait3A_428, %dma_wait3A_429] : memref<200x128xf32, #tpu.memory_space<vmem>> -> memref<50x128xf32, #tpu.memory_space<vmem>>
      %dma_wait3A_431 = arith.constant 0 : i32
      %dma_wait3A_432 = tpu.memref_slice %arg5[%add3A_410, %dma_wait3A_431] : memref<128x50xi32, #tpu.memory_space<vmem>> -> memref<1x50xi32, #tpu.memory_space<vmem>>
      %dma_wait3A_433 = tpu.memref_squeeze %dma_wait3A_432 : memref<1x50xi32, #tpu.memory_space<vmem>> -> memref<50xi32, #tpu.memory_space<vmem>>
      %dma_wait3A_434 = arith.constant 0 : i32
      %dma_wait3A_435 = arith.constant 0 : i32
      %dma_wait3A_436 = tpu.memref_slice %arg3[%dma_wait3A_434, %dma_wait3A_435] : memref<100000x128xf32, #tpu.memory_space<hbm>> -> memref<100000x128xf32, #tpu.memory_space<hbm>>
      tpu.wait_indirect_dma semaphore(%arg15 : memref<!tpu.dma_semaphore, #tpu.memory_space<semaphore_mem>>) src(%dma_wait3A_436 : memref<100000x128xf32, #tpu.memory_space<hbm>>) dst(%dma_wait3A_430 : memref<50x128xf32, #tpu.memory_space<vmem>>)
      %dma_wait3A_437 = arith.constant 100 : i32
      %dma_wait3A_438 = arith.constant 0 : i32
      %dma_wait3A_439 = tpu.memref_slice %arg9[%dma_wait3A_437, %dma_wait3A_438] : memref<200x128xf32, #tpu.memory_space<vmem>> -> memref<50x128xf32, #tpu.memory_space<vmem>>
      %dma_wait3A_440 = arith.constant 0 : i32
      %dma_wait3A_441 = tpu.memref_slice %arg5[%add3A_414, %dma_wait3A_440] : memref<128x50xi32, #tpu.memory_space<vmem>> -> memref<1x50xi32, #tpu.memory_space<vmem>>
      %dma_wait3A_442 = tpu.memref_squeeze %dma_wait3A_441 : memref<1x50xi32, #tpu.memory_space<vmem>> -> memref<50xi32, #tpu.memory_space<vmem>>
      %dma_wait3A_443 = arith.constant 0 : i32
      %dma_wait3A_444 = arith.constant 0 : i32
      %dma_wait3A_445 = tpu.memref_slice %arg3[%dma_wait3A_443, %dma_wait3A_444] : memref<100000x128xf32, #tpu.memory_space<hbm>> -> memref<100000x128xf32, #tpu.memory_space<hbm>>
      tpu.wait_indirect_dma semaphore(%arg15 : memref<!tpu.dma_semaphore, #tpu.memory_space<semaphore_mem>>) src(%dma_wait3A_445 : memref<100000x128xf32, #tpu.memory_space<hbm>>) dst(%dma_wait3A_439 : memref<50x128xf32, #tpu.memory_space<vmem>>)
      %dma_wait3A_446 = arith.constant 150 : i32
      %dma_wait3A_447 = arith.constant 0 : i32
      %dma_wait3A_448 = tpu.memref_slice %arg9[%dma_wait3A_446, %dma_wait3A_447] : memref<200x128xf32, #tpu.memory_space<vmem>> -> memref<50x128xf32, #tpu.memory_space<vmem>>
      %dma_wait3A_449 = arith.constant 0 : i32
      %dma_wait3A_450 = tpu.memref_slice %arg5[%add3A_418, %dma_wait3A_449] : memref<128x50xi32, #tpu.memory_space<vmem>> -> memref<1x50xi32, #tpu.memory_space<vmem>>
      %dma_wait3A_451 = tpu.memref_squeeze %dma_wait3A_450 : memref<1x50xi32, #tpu.memory_space<vmem>> -> memref<50xi32, #tpu.memory_space<vmem>>
      %dma_wait3A_452 = arith.constant 0 : i32
      %dma_wait3A_453 = arith.constant 0 : i32
      %dma_wait3A_454 = tpu.memref_slice %arg3[%dma_wait3A_452, %dma_wait3A_453] : memref<100000x128xf32, #tpu.memory_space<hbm>> -> memref<100000x128xf32, #tpu.memory_space<hbm>>
      tpu.wait_indirect_dma semaphore(%arg15 : memref<!tpu.dma_semaphore, #tpu.memory_space<semaphore_mem>>) src(%dma_wait3A_454 : memref<100000x128xf32, #tpu.memory_space<hbm>>) dst(%dma_wait3A_448 : memref<50x128xf32, #tpu.memory_space<vmem>>)
      %add3A_455 = arith.constant 3 : i32
      %add3A_456 = arith.addi %add3A_402, %add3A_455 : i32
      %lt3A_457 = arith.constant 32 : i32
      %lt3A_458 = arith.cmpi slt, %add3A_456, %lt3A_457 : i32
      %convert_element_type3A_459 = arith.extui %lt3A_458 : i1 to i32
      %cond3A_460 = arith.constant 0 : i32
      %cond3A_461 = arith.cmpi ne, %convert_element_type3A_459, %cond3A_460 : i32
      scf.if %cond3A_461 {
        %add3A_483 = arith.constant 3 : i32
        %add3A_484 = arith.addi %add3A_402, %add3A_483 : i32
        %mul3A_485 = arith.constant 4 : i32
        %mul3A_486 = arith.muli %mul3A_485, %add3A_484 : i32
        %add3A_487 = arith.constant 0 : i32
        %add3A_488 = arith.addi %mul3A_486, %add3A_487 : i32
        %mul3A_489 = arith.constant 4 : i32
        %mul3A_490 = arith.muli %mul3A_489, %add3A_484 : i32
        %add3A_491 = arith.constant 1 : i32
        %add3A_492 = arith.addi %mul3A_490, %add3A_491 : i32
        %mul3A_493 = arith.constant 4 : i32
        %mul3A_494 = arith.muli %mul3A_493, %add3A_484 : i32
        %add3A_495 = arith.constant 2 : i32
        %add3A_496 = arith.addi %mul3A_494, %add3A_495 : i32
        %mul3A_497 = arith.constant 4 : i32
        %mul3A_498 = arith.muli %mul3A_497, %add3A_484 : i32
        %add3A_499 = arith.constant 3 : i32
        %add3A_500 = arith.addi %mul3A_498, %add3A_499 : i32
        %dma_start3A_501 = arith.constant 0 : i32
        %dma_start3A_502 = arith.constant 0 : i32
        %dma_start3A_503 = tpu.memref_slice %arg8[%dma_start3A_501, %dma_start3A_502] : memref<200x128xf32, #tpu.memory_space<vmem>> -> memref<50x128xf32, #tpu.memory_space<vmem>>
        %dma_start3A_504 = arith.constant 0 : i32
        %dma_start3A_505 = tpu.memref_slice %arg5[%add3A_488, %dma_start3A_504] : memref<128x50xi32, #tpu.memory_space<vmem>> -> memref<1x50xi32, #tpu.memory_space<vmem>>
        %dma_start3A_506 = tpu.memref_squeeze %dma_start3A_505 : memref<1x50xi32, #tpu.memory_space<vmem>> -> memref<50xi32, #tpu.memory_space<vmem>>
        %dma_start3A_507 = arith.constant 0 : i32
        %dma_start3A_508 = arith.constant 0 : i32
        %dma_start3A_509 = tpu.memref_slice %arg3[%dma_start3A_507, %dma_start3A_508] : memref<100000x128xf32, #tpu.memory_space<hbm>> -> memref<100000x128xf32, #tpu.memory_space<hbm>>
        tpu.enqueue_indirect_dma source(%dma_start3A_509 : memref<100000x128xf32, #tpu.memory_space<hbm>>) target(%dma_start3A_503 : memref<50x128xf32, #tpu.memory_space<vmem>>) offsets(%dma_start3A_506 : memref<50xi32, #tpu.memory_space<vmem>>) semaphore(%arg14 : memref<!tpu.dma_semaphore, #tpu.memory_space<semaphore_mem>>)
        %dma_start3A_510 = arith.constant 50 : i32
        %dma_start3A_511 = arith.constant 0 : i32
        %dma_start3A_512 = tpu.memref_slice %arg8[%dma_start3A_510, %dma_start3A_511] : memref<200x128xf32, #tpu.memory_space<vmem>> -> memref<50x128xf32, #tpu.memory_space<vmem>>
        %dma_start3A_513 = arith.constant 0 : i32
        %dma_start3A_514 = tpu.memref_slice %arg5[%add3A_492, %dma_start3A_513] : memref<128x50xi32, #tpu.memory_space<vmem>> -> memref<1x50xi32, #tpu.memory_space<vmem>>
        %dma_start3A_515 = tpu.memref_squeeze %dma_start3A_514 : memref<1x50xi32, #tpu.memory_space<vmem>> -> memref<50xi32, #tpu.memory_space<vmem>>
        %dma_start3A_516 = arith.constant 0 : i32
        %dma_start3A_517 = arith.constant 0 : i32
        %dma_start3A_518 = tpu.memref_slice %arg3[%dma_start3A_516, %dma_start3A_517] : memref<100000x128xf32, #tpu.memory_space<hbm>> -> memref<100000x128xf32, #tpu.memory_space<hbm>>
        tpu.enqueue_indirect_dma source(%dma_start3A_518 : memref<100000x128xf32, #tpu.memory_space<hbm>>) target(%dma_start3A_512 : memref<50x128xf32, #tpu.memory_space<vmem>>) offsets(%dma_start3A_515 : memref<50xi32, #tpu.memory_space<vmem>>) semaphore(%arg14 : memref<!tpu.dma_semaphore, #tpu.memory_space<semaphore_mem>>)
        %dma_start3A_519 = arith.constant 100 : i32
        %dma_start3A_520 = arith.constant 0 : i32
        %dma_start3A_521 = tpu.memref_slice %arg8[%dma_start3A_519, %dma_start3A_520] : memref<200x128xf32, #tpu.memory_space<vmem>> -> memref<50x128xf32, #tpu.memory_space<vmem>>
        %dma_start3A_522 = arith.constant 0 : i32
        %dma_start3A_523 = tpu.memref_slice %arg5[%add3A_496, %dma_start3A_522] : memref<128x50xi32, #tpu.memory_space<vmem>> -> memref<1x50xi32, #tpu.memory_space<vmem>>
        %dma_start3A_524 = tpu.memref_squeeze %dma_start3A_523 : memref<1x50xi32, #tpu.memory_space<vmem>> -> memref<50xi32, #tpu.memory_space<vmem>>
        %dma_start3A_525 = arith.constant 0 : i32
        %dma_start3A_526 = arith.constant 0 : i32
        %dma_start3A_527 = tpu.memref_slice %arg3[%dma_start3A_525, %dma_start3A_526] : memref<100000x128xf32, #tpu.memory_space<hbm>> -> memref<100000x128xf32, #tpu.memory_space<hbm>>
        tpu.enqueue_indirect_dma source(%dma_start3A_527 : memref<100000x128xf32, #tpu.memory_space<hbm>>) target(%dma_start3A_521 : memref<50x128xf32, #tpu.memory_space<vmem>>) offsets(%dma_start3A_524 : memref<50xi32, #tpu.memory_space<vmem>>) semaphore(%arg14 : memref<!tpu.dma_semaphore, #tpu.memory_space<semaphore_mem>>)
        %dma_start3A_528 = arith.constant 150 : i32
        %dma_start3A_529 = arith.constant 0 : i32
        %dma_start3A_530 = tpu.memref_slice %arg8[%dma_start3A_528, %dma_start3A_529] : memref<200x128xf32, #tpu.memory_space<vmem>> -> memref<50x128xf32, #tpu.memory_space<vmem>>
        %dma_start3A_531 = arith.constant 0 : i32
        %dma_start3A_532 = tpu.memref_slice %arg5[%add3A_500, %dma_start3A_531] : memref<128x50xi32, #tpu.memory_space<vmem>> -> memref<1x50xi32, #tpu.memory_space<vmem>>
        %dma_start3A_533 = tpu.memref_squeeze %dma_start3A_532 : memref<1x50xi32, #tpu.memory_space<vmem>> -> memref<50xi32, #tpu.memory_space<vmem>>
        %dma_start3A_534 = arith.constant 0 : i32
        %dma_start3A_535 = arith.constant 0 : i32
        %dma_start3A_536 = tpu.memref_slice %arg3[%dma_start3A_534, %dma_start3A_535] : memref<100000x128xf32, #tpu.memory_space<hbm>> -> memref<100000x128xf32, #tpu.memory_space<hbm>>
        tpu.enqueue_indirect_dma source(%dma_start3A_536 : memref<100000x128xf32, #tpu.memory_space<hbm>>) target(%dma_start3A_530 : memref<50x128xf32, #tpu.memory_space<vmem>>) offsets(%dma_start3A_533 : memref<50xi32, #tpu.memory_space<vmem>>) semaphore(%arg14 : memref<!tpu.dma_semaphore, #tpu.memory_space<semaphore_mem>>)
      } else {
      }
      %ge3A_462 = arith.constant 2 : i32
      %ge3A_463 = arith.cmpi sge, %add3A_402, %ge3A_462 : i32
      %convert_element_type3A_464 = arith.extui %ge3A_463 : i1 to i32
      %cond3A_465 = arith.constant 0 : i32
      %cond3A_466 = arith.cmpi ne, %convert_element_type3A_464, %cond3A_465 : i32
      scf.if %cond3A_466 {
        %add3A_483 = arith.addi %mul3A_2, %add3A_402 : i32
        %sub3A_484 = arith.constant 2 : i32
        %sub3A_485 = arith.subi %add3A_483, %sub3A_484 : i32
        %dma_wait3A_486 = arith.constant 0 : i32
        %dma_wait3A_487 = tpu.memref_slice %arg4[%sub3A_485, %dma_wait3A_486] : memref<1024x2560xf32, #tpu.memory_space<hbm>> -> memref<1x2560xf32, #tpu.memory_space<hbm>>
        %dma_wait3A_488 = tpu.memref_squeeze %dma_wait3A_487 : memref<1x2560xf32, #tpu.memory_space<hbm>> -> memref<2560xf32, #tpu.memory_space<hbm>>
        %dma_wait3A_489 = arith.constant 0 : i32
        %dma_wait3A_490 = tpu.memref_slice %arg4[%sub3A_485, %dma_wait3A_489] : memref<1024x2560xf32, #tpu.memory_space<hbm>> -> memref<1x2560xf32, #tpu.memory_space<hbm>>
        %dma_wait3A_491 = tpu.memref_squeeze %dma_wait3A_490 : memref<1x2560xf32, #tpu.memory_space<hbm>> -> memref<2560xf32, #tpu.memory_space<hbm>>
        tpu.wait_dma2 semaphore(%arg17 : memref<!tpu.dma_semaphore, #tpu.memory_space<semaphore_mem>>) src(%arg11 : memref<2560xf32, #tpu.memory_space<vmem>>) dst(%dma_wait3A_491 : memref<2560xf32, #tpu.memory_space<hbm>>)
      } else {
      }
      %iota3A_467 = tpu.iota {dimensions = array<i32: 0>} : vector<16xi32>
      %mul3A_468 = arith.constant 10 : i32
      %mul3A_469 = vector.broadcast %mul3A_468 : i32 to vector<16xi32>
      %mul3A_470 = arith.muli %mul3A_469, %iota3A_467 : vector<16xi32>
      %broadcast_in_dim3A_471 = arith.constant 0 : i32
      %broadcast_in_dim3A_472 = vector.broadcast %broadcast_in_dim3A_471 : i32 to vector<16xi32>
      %parallel_loop3A_473 = arith.constant 0 : i32
      %parallel_loop3A_474 = arith.constant 160 : i32
      %parallel_loop3A_475 = arith.constant 1 : i32
      scf.for %parallel_loop3A_483 = %parallel_loop3A_473 to %parallel_loop3A_474 step %parallel_loop3A_475  : i32 {
        %parallel_loop3A_484 = arith.constant 160 : i32
        %parallel_loop3A_485 = arith.muli %parallel_loop3A_483, %parallel_loop3A_484 : i32
        %parallel_loop3A_486 = arith.constant 0 : i32
        %parallel_loop3A_487 = arith.addi %parallel_loop3A_485, %parallel_loop3A_486 : i32
        %parallel_loop3A_488 = vector.broadcast %parallel_loop3A_487 : i32 to vector<16xi32>
        %parallel_loop3A_489 = arith.addi %mul3A_470, %parallel_loop3A_488 : vector<16xi32>
        %parallel_loop3A_490 = tpu.vector_load_idx %arg9[%broadcast_in_dim3A_472, %parallel_loop3A_489] : memref<200x128xf32, #tpu.memory_space<vmem>>[vector<16xi32>, vector<16xi32>], vector<16xf32>,
        %parallel_loop3A_491 = arith.constant 1 : i32
        %parallel_loop3A_492 = arith.addi %parallel_loop3A_485, %parallel_loop3A_491 : i32
        %parallel_loop3A_493 = vector.broadcast %parallel_loop3A_492 : i32 to vector<16xi32>
        %parallel_loop3A_494 = arith.addi %mul3A_470, %parallel_loop3A_493 : vector<16xi32>
        %parallel_loop3A_495 = tpu.vector_load_idx %arg9[%broadcast_in_dim3A_472, %parallel_loop3A_494] : memref<200x128xf32, #tpu.memory_space<vmem>>[vector<16xi32>, vector<16xi32>], vector<16xf32>,
        %parallel_loop3A_496 = arith.addf %parallel_loop3A_490, %parallel_loop3A_495 : vector<16xf32>
        %parallel_loop3A_497 = arith.constant 2 : i32
        %parallel_loop3A_498 = arith.addi %parallel_loop3A_485, %parallel_loop3A_497 : i32
        %parallel_loop3A_499 = vector.broadcast %parallel_loop3A_498 : i32 to vector<16xi32>
        %parallel_loop3A_500 = arith.addi %mul3A_470, %parallel_loop3A_499 : vector<16xi32>
        %parallel_loop3A_501 = tpu.vector_load_idx %arg9[%broadcast_in_dim3A_472, %parallel_loop3A_500] : memref<200x128xf32, #tpu.memory_space<vmem>>[vector<16xi32>, vector<16xi32>], vector<16xf32>,
        %parallel_loop3A_502 = arith.constant 3 : i32
        %parallel_loop3A_503 = arith.addi %parallel_loop3A_485, %parallel_loop3A_502 : i32
        %parallel_loop3A_504 = vector.broadcast %parallel_loop3A_503 : i32 to vector<16xi32>
        %parallel_loop3A_505 = arith.addi %mul3A_470, %parallel_loop3A_504 : vector<16xi32>
        %parallel_loop3A_506 = tpu.vector_load_idx %arg9[%broadcast_in_dim3A_472, %parallel_loop3A_505] : memref<200x128xf32, #tpu.memory_space<vmem>>[vector<16xi32>, vector<16xi32>], vector<16xf32>,
        %parallel_loop3A_507 = arith.addf %parallel_loop3A_501, %parallel_loop3A_506 : vector<16xf32>
        %parallel_loop3A_508 = arith.addf %parallel_loop3A_496, %parallel_loop3A_507 : vector<16xf32>
        %parallel_loop3A_509 = arith.constant 4 : i32
        %parallel_loop3A_510 = arith.addi %parallel_loop3A_485, %parallel_loop3A_509 : i32
        %parallel_loop3A_511 = vector.broadcast %parallel_loop3A_510 : i32 to vector<16xi32>
        %parallel_loop3A_512 = arith.addi %mul3A_470, %parallel_loop3A_511 : vector<16xi32>
        %parallel_loop3A_513 = tpu.vector_load_idx %arg9[%broadcast_in_dim3A_472, %parallel_loop3A_512] : memref<200x128xf32, #tpu.memory_space<vmem>>[vector<16xi32>, vector<16xi32>], vector<16xf32>,
        %parallel_loop3A_514 = arith.constant 5 : i32
        %parallel_loop3A_515 = arith.addi %parallel_loop3A_485, %parallel_loop3A_514 : i32
        %parallel_loop3A_516 = vector.broadcast %parallel_loop3A_515 : i32 to vector<16xi32>
        %parallel_loop3A_517 = arith.addi %mul3A_470, %parallel_loop3A_516 : vector<16xi32>
        %parallel_loop3A_518 = tpu.vector_load_idx %arg9[%broadcast_in_dim3A_472, %parallel_loop3A_517] : memref<200x128xf32, #tpu.memory_space<vmem>>[vector<16xi32>, vector<16xi32>], vector<16xf32>,
        %parallel_loop3A_519 = arith.addf %parallel_loop3A_513, %parallel_loop3A_518 : vector<16xf32>
        %parallel_loop3A_520 = arith.constant 6 : i32
        %parallel_loop3A_521 = arith.addi %parallel_loop3A_485, %parallel_loop3A_520 : i32
        %parallel_loop3A_522 = vector.broadcast %parallel_loop3A_521 : i32 to vector<16xi32>
        %parallel_loop3A_523 = arith.addi %mul3A_470, %parallel_loop3A_522 : vector<16xi32>
        %parallel_loop3A_524 = tpu.vector_load_idx %arg9[%broadcast_in_dim3A_472, %parallel_loop3A_523] : memref<200x128xf32, #tpu.memory_space<vmem>>[vector<16xi32>, vector<16xi32>], vector<16xf32>,
        %parallel_loop3A_525 = arith.constant 7 : i32
        %parallel_loop3A_526 = arith.addi %parallel_loop3A_485, %parallel_loop3A_525 : i32
        %parallel_loop3A_527 = vector.broadcast %parallel_loop3A_526 : i32 to vector<16xi32>
        %parallel_loop3A_528 = arith.addi %mul3A_470, %parallel_loop3A_527 : vector<16xi32>
        %parallel_loop3A_529 = tpu.vector_load_idx %arg9[%broadcast_in_dim3A_472, %parallel_loop3A_528] : memref<200x128xf32, #tpu.memory_space<vmem>>[vector<16xi32>, vector<16xi32>], vector<16xf32>,
        %parallel_loop3A_530 = arith.addf %parallel_loop3A_524, %parallel_loop3A_529 : vector<16xf32>
        %parallel_loop3A_531 = arith.addf %parallel_loop3A_519, %parallel_loop3A_530 : vector<16xf32>
        %parallel_loop3A_532 = arith.constant 8 : i32
        %parallel_loop3A_533 = arith.addi %parallel_loop3A_485, %parallel_loop3A_532 : i32
        %parallel_loop3A_534 = vector.broadcast %parallel_loop3A_533 : i32 to vector<16xi32>
        %parallel_loop3A_535 = arith.addi %mul3A_470, %parallel_loop3A_534 : vector<16xi32>
        %parallel_loop3A_536 = tpu.vector_load_idx %arg9[%broadcast_in_dim3A_472, %parallel_loop3A_535] : memref<200x128xf32, #tpu.memory_space<vmem>>[vector<16xi32>, vector<16xi32>], vector<16xf32>,
        %parallel_loop3A_537 = arith.constant 9 : i32
        %parallel_loop3A_538 = arith.addi %parallel_loop3A_485, %parallel_loop3A_537 : i32
        %parallel_loop3A_539 = vector.broadcast %parallel_loop3A_538 : i32 to vector<16xi32>
        %parallel_loop3A_540 = arith.addi %mul3A_470, %parallel_loop3A_539 : vector<16xi32>
        %parallel_loop3A_541 = tpu.vector_load_idx %arg9[%broadcast_in_dim3A_472, %parallel_loop3A_540] : memref<200x128xf32, #tpu.memory_space<vmem>>[vector<16xi32>, vector<16xi32>], vector<16xf32>,
        %parallel_loop3A_542 = arith.addf %parallel_loop3A_536, %parallel_loop3A_541 : vector<16xf32>
        %parallel_loop3A_543 = arith.addf %parallel_loop3A_531, %parallel_loop3A_542 : vector<16xf32>
        %parallel_loop3A_544 = arith.addf %parallel_loop3A_508, %parallel_loop3A_543 : vector<16xf32>
        %parallel_loop3A_545 = arith.constant 1.000000e-01 : f32
        %parallel_loop3A_546 = vector.broadcast %parallel_loop3A_545 : f32 to vector<16xf32>
        %parallel_loop3A_547 = arith.mulf %parallel_loop3A_544, %parallel_loop3A_546 : vector<16xf32>
        %parallel_loop3A_548 = arith.constant 16 : i32
        %parallel_loop3A_549 = arith.muli %parallel_loop3A_483, %parallel_loop3A_548 : i32
        %parallel_loop3A_550 = arith.index_cast %parallel_loop3A_549 : i32 to index
        %parallel_loop3A_551 = tpu.vector_load %arg11[%parallel_loop3A_550] {strides = array<i32>} : memref<2560xf32, #tpu.memory_space<vmem>>, vector<16xf32>,
        tpu.vector_store %arg11[%parallel_loop3A_550], %parallel_loop3A_547 {strides = array<i32>} : memref<2560xf32, #tpu.memory_space<vmem>>, vector<16xf32>,
      } {sc.loop_unroll_factor = 4 : i64, sc.parallel_access}
      %add3A_476 = arith.addi %mul3A_2, %add3A_402 : i32
      %dma_start3A_477 = arith.constant 0 : i32
      %dma_start3A_478 = tpu.memref_slice %arg4[%add3A_476, %dma_start3A_477] : memref<1024x2560xf32, #tpu.memory_space<hbm>> -> memref<1x2560xf32, #tpu.memory_space<hbm>>
      %dma_start3A_479 = tpu.memref_squeeze %dma_start3A_478 : memref<1x2560xf32, #tpu.memory_space<hbm>> -> memref<2560xf32, #tpu.memory_space<hbm>>
      %dma_start3A_480 = arith.constant 0 : i32
      %dma_start3A_481 = tpu.memref_slice %arg4[%add3A_476, %dma_start3A_480] : memref<1024x2560xf32, #tpu.memory_space<hbm>> -> memref<1x2560xf32, #tpu.memory_space<hbm>>
      %dma_start3A_482 = tpu.memref_squeeze %dma_start3A_481 : memref<1x2560xf32, #tpu.memory_space<hbm>> -> memref<2560xf32, #tpu.memory_space<hbm>>
      tpu.enqueue_dma source(%arg11 : memref<2560xf32, #tpu.memory_space<vmem>>) target(%dma_start3A_482 : memref<2560xf32, #tpu.memory_space<hbm>>) target_semaphore(%arg17 : memref<!tpu.dma_semaphore, #tpu.memory_space<semaphore_mem>>)
    }
    %scan3A_130 = arith.constant 8 : i32
    %add3A_131 = arith.constant 32 : i32
    %add3A_132 = arith.addi %mul3A_2, %add3A_131 : i32
    %sub3A = arith.constant 2 : i32
    %sub3A_133 = arith.subi %add3A_132, %sub3A : i32
    %add3A_134 = arith.constant 0 : i32
    %add3A_135 = arith.addi %sub3A_133, %add3A_134 : i32
    %dma_wait3A = arith.constant 0 : i32
    %dma_wait3A_136 = tpu.memref_slice %arg4[%add3A_135, %dma_wait3A] : memref<1024x2560xf32, #tpu.memory_space<hbm>> -> memref<1x2560xf32, #tpu.memory_space<hbm>>
    %dma_wait3A_137 = tpu.memref_squeeze %dma_wait3A_136 : memref<1x2560xf32, #tpu.memory_space<hbm>> -> memref<2560xf32, #tpu.memory_space<hbm>>
    %dma_wait3A_138 = arith.constant 0 : i32
    %dma_wait3A_139 = tpu.memref_slice %arg4[%add3A_135, %dma_wait3A_138] : memref<1024x2560xf32, #tpu.memory_space<hbm>> -> memref<1x2560xf32, #tpu.memory_space<hbm>>
    %dma_wait3A_140 = tpu.memref_squeeze %dma_wait3A_139 : memref<1x2560xf32, #tpu.memory_space<hbm>> -> memref<2560xf32, #tpu.memory_space<hbm>>
    tpu.wait_dma2 semaphore(%arg16 : memref<!tpu.dma_semaphore, #tpu.memory_space<semaphore_mem>>) src(%arg10 : memref<2560xf32, #tpu.memory_space<vmem>>) dst(%dma_wait3A_140 : memref<2560xf32, #tpu.memory_space<hbm>>)
    %add3A_141 = arith.constant 32 : i32
    %add3A_142 = arith.addi %mul3A_2, %add3A_141 : i32
    %sub3A_143 = arith.constant 2 : i32
    %sub3A_144 = arith.subi %add3A_142, %sub3A_143 : i32
    %add3A_145 = arith.constant 1 : i32
    %add3A_146 = arith.addi %sub3A_144, %add3A_145 : i32
    %dma_wait3A_147 = arith.constant 0 : i32
    %dma_wait3A_148 = tpu.memref_slice %arg4[%add3A_146, %dma_wait3A_147] : memref<1024x2560xf32, #tpu.memory_space<hbm>> -> memref<1x2560xf32, #tpu.memory_space<hbm>>
    %dma_wait3A_149 = tpu.memref_squeeze %dma_wait3A_148 : memref<1x2560xf32, #tpu.memory_space<hbm>> -> memref<2560xf32, #tpu.memory_space<hbm>>
    %dma_wait3A_150 = arith.constant 0 : i32
    %dma_wait3A_151 = tpu.memref_slice %arg4[%add3A_146, %dma_wait3A_150] : memref<1024x2560xf32, #tpu.memory_space<hbm>> -> memref<1x2560xf32, #tpu.memory_space<hbm>>
    %dma_wait3A_152 = tpu.memref_squeeze %dma_wait3A_151 : memref<1x2560xf32, #tpu.memory_space<hbm>> -> memref<2560xf32, #tpu.memory_space<hbm>>
    tpu.wait_dma2 semaphore(%arg17 : memref<!tpu.dma_semaphore, #tpu.memory_space<semaphore_mem>>) src(%arg11 : memref<2560xf32, #tpu.memory_space<vmem>>) dst(%dma_wait3A_152 : memref<2560xf32, #tpu.memory_space<hbm>>)
    return
  }
}

</mosaic_0001>

<sc_bundles>
// kernel: kernel.3.cloned.1.call-start
scs
__scs_entry_jumppad:
0x0: {  	(pc) =	sbr.rel $0x88, $3  }
0x1: {  	(tag) =	ssettag $0x0;
	lr =	simm.s32 $0x1  }
0x2: {  	[smem:$0x3F9F] =	sst lr;
	_ =	strace $0xD0000000  }
0x3: {  	_ = 	snop  }
0x4: {  	_ = 	snop  }
0x5: {  	_ = 	snop  }
0x6: {  	_ = 	snop  }
0x7: {  	_ = 	snop  }
__scs_overlays_trampoline_lowered:
0x8: {  	[smem:$0x3FAE] =	sst s0  }
0x9: {  	[smem:$0x3FAF] =	sst s1  }
0xa: {  	[smem:$0x3FB0] =	sst s2  }
0xb: {  	[smem:$0x3FB1] =	sst s3  }
0xc: {  	[smem:$0x3FB2] =	sst s4  }
0xd: {  	[smem:$0x3FB3] =	sst s5  }
0xe: {  	[smem:$0x3FB4] =	sst s6  }
0xf: {  	[smem:$0x3FB5] =	sst s7  }
0x10: {  	[smem:$0x3FB6] =	sst s8  }
0x11: {  	[smem:$0x3FB7] =	sst s9;
	s0 =	simm.s32 @!p0 $0x0  }
0x12: {  	s1 =	sld [smem:$0x3F9D];
	s0 =	simm.s32 @p0 $0x1  }
0x13: {  	[smem:$0x3FB8] =	sst s0;
	s0 =	simm.s32 @!p1 $0x0  }
0x14: {  	s2 =	sld [smem:$0x3F9C];
	s0 =	simm.s32 @p1 $0x1  }
0x15: {  	[smem:$0x3FB9] =	sst s0;
	s0 =	simm.s32 @!p2 $0x0  }
0x16: {  	s3 =	sld [smem:$0x3FDB];
	s0 =	simm.s32 @p2 $0x1  }
0x17: {  	s4 =	simm.s32 $0x1BF5;
	[smem:$0x3FBB] =	sst s0  }
0x18: {  	s0 =	sld [smem:$0x3F9E];
	_ =	swait.ge [sflag:s4], $0x0  }
0x19: {  	s7 =	sld [smem:$0x3F9F]  }
0x1a: {  	s8 =	sadd.s32 $0xFFFFE003, lr  }
0x1b: {  	s9 =	sadd.s32 $0xFFFFFEF7, lr;
	s5 =	simm.s32 $0xFFFFFFFF;
	p2 =	slt.u32 s8, $0xFFFFF086  }
0x1c: {  	p1 =	slt.u32 s9, $0xF7A;
	s5 =	simm.s32 @!p2 $0x0  }
0x1d: {  	s5 =	simm.s32 @p1 $0x1;
	p0 =	seq.s32 s7, s2  }
0x1e: {  	s7 =	smul.u32 @!p0 $0xF7A, s2;
	p2 =	seq.s32 @!p0 s5, $0x0  }
0x1f: {  	s9 =	smul.u32 $0xF7A, s1;
	s8 =	simm.s32 @!p0 $0x1BF5;
	p2 =	por !p2, p0  }
0x20: {  	[sflag:s8] =	ssyncset.s32 @!p0 $0xFFFFF086;
	s6 =	sadd.s32 @!p0 s3, s7;
	s7 =	simm.s32 @!p0 $0x108  }
0x21: {  	s3 =	sadd.s32 s3, s9;
	s6 =	sadd.s32 @!p0 $0x88, s6;
	s7 =	simm.s32 @p2 $0x1082  }
0x22: {  	[simem:s7], [sflag:s8] =	dma.local @!p0 [hbm:s6], $0xF7A  }
0x23: {  	s9 =	sor.u32 $0xD0000000, s2;
	s6 =	simm.s32 $0x108;
	_ =	swait.ge @!p0 [sflag:s8], $0x0  }
0x24: {  	s3 =	sadd.s32 $0x88, s3;
	s6 =	simm.s32 @!p1 $0x1082;
	[sflag:s4] =	ssyncset.s32 $0xFFFFF086  }
0x25: {  	[simem:s6], [sflag:s4] =	dma.local [hbm:s3], $0xF7A  }
0x26: {  	[smem:$0x3F9F] =	sst s1;
	(tag) =	ssettag s2;
	_ =	strace s9  }
0x27: {  	s1 =	sld [smem:$0x3FAF]  }
0x28: {  	s2 =	sld [smem:$0x3FB0]  }
0x29: {  	s4 =	sld [smem:$0x3FB2]  }
0x2a: {  	p0 =	seq.s32 s5, $0x0;
	s5 =	sld [smem:$0x3FB3]  }
0x2b: {  	s6 =	sld [smem:$0x3FB4]  }
0x2c: {  	s7 =	sld [smem:$0x3FB5]  }
0x2d: {  	s3 =	simm.s32 $0x108;
	s8 =	sld [smem:$0x3FB6]  }
0x2e: {  	s3 =	simm.s32 @!p0 $0x1082;
	s9 =	sld [smem:$0x3FB7]  }
0x2f: {  	lr =	sadd.s32 s0, s3;
	s0 =	sld [smem:$0x3FAE]  }
0x30: {  	s3 =	sld [smem:$0x3FB1]  }
0x31: {  	[smem:$0x3FBA] =	sst s10  }
0x32: {  	s10 =	sld [smem:$0x3FB8];
	_ =	sdelay $0x3  }
0x33: {  	p0 =	seq.s32 s10, $0x1;
	s10 =	sld [smem:$0x3FBA];
	_ =	sdelay $0x3  }
0x34: {  	[smem:$0x3FBA] =	sst s10  }
0x35: {  	s10 =	sld [smem:$0x3FB9];
	_ =	sdelay $0x3  }
0x36: {  	p1 =	seq.s32 s10, $0x1;
	s10 =	sld [smem:$0x3FBA];
	_ =	sdelay $0x3  }
0x37: {  	[smem:$0x3FBA] =	sst s10  }
0x38: {  	s10 =	sld [smem:$0x3FBB]  }
0x39: {  	_ = 	snop;
	(pc) =	sbr.ind lr, $3  }
0x3a: {  	_ = 	snop  }
0x3b: {  	_ = 	snop  }
0x3c: {  	p2 =	seq.s32 s10, $0x1;
	s10 =	sld [smem:$0x3FBA]  }
0x3d: {  	_ =	shalt  }
0x3e: {  	_ =	shalt  }
0x3f: {  	_ =	shalt  }
0x40: {  	_ =	shalt  }
0x41: {  	_ =	shalt  }
0x42: {  	_ =	shalt  }
0x43: {  	_ =	shalt  }
0x44: {  	_ =	shalt  }
0x45: {  	_ =	shalt  }
0x46: {  	_ =	shalt  }
0x47: {  	_ =	shalt  }
0x48: {  	_ =	shalt  }
0x49: {  	_ =	shalt  }
0x4a: {  	_ =	shalt  }
0x4b: {  	_ =	shalt  }
0x4c: {  	_ =	shalt  }
0x4d: {  	_ =	shalt  }
0x4e: {  	_ =	shalt  }
0x4f: {  	_ =	shalt  }
0x50: {  	_ =	shalt  }
0x51: {  	_ =	shalt  }
0x52: {  	_ =	shalt  }
0x53: {  	_ =	shalt  }
0x54: {  	_ =	shalt  }
0x55: {  	_ =	shalt  }
0x56: {  	_ =	shalt  }
0x57: {  	_ =	shalt  }
0x58: {  	_ =	shalt  }
0x59: {  	_ =	shalt  }
0x5a: {  	_ =	shalt  }
0x5b: {  	_ =	shalt  }
0x5c: {  	_ =	shalt  }
0x5d: {  	_ =	shalt  }
0x5e: {  	_ =	shalt  }
0x5f: {  	_ =	shalt  }
0x60: {  	_ =	shalt  }
0x61: {  	_ =	shalt  }
0x62: {  	_ =	shalt  }
0x63: {  	_ =	shalt  }
0x64: {  	_ =	shalt  }
0x65: {  	_ =	shalt  }
0x66: {  	_ =	shalt  }
0x67: {  	_ =	shalt  }
0x68: {  	_ =	shalt  }
0x69: {  	_ =	shalt  }
0x6a: {  	_ =	shalt  }
0x6b: {  	_ =	shalt  }
0x6c: {  	_ =	shalt  }
0x6d: {  	_ =	shalt  }
0x6e: {  	_ =	shalt  }
0x6f: {  	_ =	shalt  }
0x70: {  	_ =	shalt  }
0x71: {  	_ =	shalt  }
0x72: {  	_ =	shalt  }
0x73: {  	_ =	shalt  }
0x74: {  	_ =	shalt  }
0x75: {  	_ =	shalt  }
0x76: {  	_ =	shalt  }
0x77: {  	_ =	shalt  }
0x78: {  	_ =	shalt  }
0x79: {  	_ =	shalt  }
0x7a: {  	_ =	shalt  }
0x7b: {  	_ =	shalt  }
0x7c: {  	_ =	shalt  }
0x7d: {  	_ =	shalt  }
0x7e: {  	_ =	shalt  }
0x7f: {  	_ =	shalt  }
0x80: {  	_ =	shalt  }
0x81: {  	_ =	shalt  }
0x82: {  	_ =	shalt  }
0x83: {  	_ =	shalt  }
0x84: {  	_ =	shalt  }
0x85: {  	_ =	shalt  }
0x86: {  	_ =	shalt  }
0x87: {  	_ =	shalt  }
.Lfunc_end0:
.L_simem_size_0:
called_computation_lowered:
.L_overlay_start_0:
0x88: {  	s2 =	sld [smem:$0x3FD9]  }
0x89: {  	s3 =	sld [smem:$0x3FFE];
	_ =	sdelay $0x1  }
0x8a: {  	s1 =	srdreg.scid  }
0x8b: {  	s0 =	sand.u32 $0x1, s1  }
0x8c: {  	s17 =	sshll.u32 s0, $0xA;
	s2 =	sadd.s32 s3, s2  }
0x8d: {  	s2 =	sadd.s32 s2, s17  }
0x8e: {  	[smem:$0x3FC6] =	sst s2  }
0x8f: {  	_ = 	snop  }
0x90: {  	s2 =	sld [smem:$0x3FC8]  }
0x91: {  	s18 =	sld [smem:$0x3FD0];
	(tm) =	ssettm $0x1  }
0x92: {  	s4 =	sld [smem:$0x3FFB];
	_ =	sdelay $0x3  }
0x93: {  	_ =	strace s4  }
0x94: {  	s4 =	sld [smem:$0x3FFC];
	_ =	sdelay $0x3  }
0x95: {  	_ =	strace s4  }
0x96: {  	s4 =	sld [smem:$0x3FFD];
	_ =	sdelay $0x3  }
0x97: {  	_ =	strace s4  }
0x98: {  	_ =	strace $0x8FFFFFFF  }
0x99: {  	s19 =	sld [smem:$0x3FDB];
	_ =	sdelay $0x1  }
0x9a: {  	s5 =	simm.s32 $_scs_section_size  }
0x9b: {  	s6 =	simm.s32 $_size__tile_overlayer_lowered;
	s7 =	simm.s32 $_tile_overlayer_lowered  }
0x9c: {  	s22 =	simm.s32 $0x1BFF;
	s21 =	sshll.u32 s7, $0x1;
	s4 =	sadd.s32 s5, s19  }
0x9d: {  	s8 =	simm.s32 $0x0;
	s20 =	sshll.u32 s6, $0x1;
	s6 =	sadd.s32 s21, s4  }
0x9e: {  	[timem:s8], [sflag:s22] =	dma.local [hbm:s6], s20  }
0x9f: {  	_ =	swait.ge [sflag:s22], s20  }
0xa0: {  	s5 =	ssub.s32 $0x0, s20;
	[sflag:s22] =	ssyncset.done $0x0  }
0xa1: {  	[sflag:s22] =	ssyncadd.s32 s5;
	_ =	sdelay $0x1  }
0xa2: {  	s23 =	simm.s32 $0x1B8B  }
0xa3: {  	_ =	swait.ge [sflag:s23], $0x1  }
0xa4: {  	[sflag:s23] =	ssyncset.done $0x0  }
0xa5: {  	s25 =	simm.s32 $0x1B8E;
	s24 =	sld [smem:$0x3FFE];
	[sflag:s23] =	ssyncadd.s32 $0xFFFFFFFF  }
0xa6: {  	s26 =	simm.s32 $execute0_lowered;
	[smem:$0x3FD2] =	sst s25  }
0xa7: {  	s6 =	sshll.u32 s26, $0x1;
	_ =	strace $0x80000046;
	[dreg:$0x1] =	wrdreg $0xFFFFFFFF  }
0xa8: {  	s28 =	simm.s32 $_size_execute0_lowered;
	s4 =	sadd.s32 s4, s6;
	[dreg:$0x0] =	wrdreg $0x0  }
0xa9: {  	s6 =	sshll.u32 s28, $0x1;
	[dreg:$0x2] =	wrdreg s4  }
0xaa: {  	[dreg:$0x3] =	wrdreg s6  }
0xab: {  	[dreg:$0x4] =	wrdreg $0xC0  }
0xac: {  	_ =	task [dreg:s8], $0x5FFFF  }
0xad: {  	[dreg:$0x1] =	wrdreg $0xFFFFFFFF  }
0xae: {  	[dreg:$0x0] =	wrdreg $0x60  }
0xaf: {  	[dreg:$0x2] =	wrdreg s24  }
0xb0: {  	[dreg:$0x3] =	wrdreg s2  }
0xb1: {  	[dreg:$0x4] =	wrdreg s18  }
0xb2: {  	[dreg:$0x5] =	wrdreg $0x9  }
0xb3: {  	_ =	task.clear_ibuf [dreg:s8], $0x6FFFF;
	_ =	strace $0x90000046  }
0xb4: {  	s29 =	simm.s32 $0x9;
	_ =	strace $0x80000048  }
0xb5: {  	_ =	swait.ge [sflag:s29], $0x1  }
0xb6: {  	[sflag:s29] =	ssyncadd.s32 $0xFFFFFFFF  }
0xb7: {  	_ =	strace $0x90000048  }
0xb8: {  	_ =	sfence  }
0xb9: {  	s30 =	sld [smem:$0x0];
	_ =	sdelay $0x2  }
0xba: {  	s31 =	sshll.u32 s1, $0xD;
	s1 =	sshrl.u32 s1, $0x2  }
0xbb: {  	s3 =	sand.u32 $0x4000, s31;
	s1 =	sadd.s32 s1, s30  }
0xbc: {  	s0 =	sor.u32 s3, s0;
	s1 =	sshll.u32 s1, $0x11  }
0xbd: {  	s0 =	sor.u32 s1, s0  }
0xbe: {  	s0 =	sadd.s32 $0x8F2B, s0  }
0xbf: {  	[sflag:s0] =	ssyncadd.remote.s32 $0x1  }
0xc0: {  	_ =	sfence.sel $0xFFFF  }
0xc1: {  	[dreg:$0x0] =	wrdreg $0xFFFFFFFF;
	(pc) =	sbr.abs _section_cstart, $3  }
0xc2: {  	[dreg:$0x1] =	wrdreg $0xFFFFFFFF  }
0xc3: {  	_ =	task.clear_ibuf [dreg:s8], $0x2FFFF;
	_ =	strace $0x9FFFFFFF  }
0xc4: {  	(tm) =	ssettm $0x7FFFFFFF  }
0xc5: {  	_ =	shalt  }
tec
execute0_lowered:
.L_overlay_start_1:
0x0: {  	(tag) =	ssettag $0x1  }
0x1: {  	s0 =	rddreg [dreg:$0x0]  }
0x2: {  	s2 =	rddreg [dreg:$0x1];
	s1 =	srdreg.scid  }
0x3: {  	s4 =	stileid.u32;
	s3 =	rddreg [dreg:$0x2]  }
0x4: {  	s5 =	simm.s32 $0x0;
	s9 =	simm.s32 $0x32;
	s10 =	simm.s32 $0x4000  }
0x5: {  	s11 =	simm.s32 $0x80;
	s18 =	simm.s32 $0xA400;
	s25 =	simm.s32 $0x400  }
0x6: {  	s26 =	simm.s32 $0x10800;
	s12 =	simm.s32 $0x1;
	s13 =	simm.s32 $0x16C00  }
0x7: {  	s17 =	simm.s32 $0x1D000;
	s19 =	simm.s32 $0x2;
	s20 =	simm.s32 $0x1DA00  }
0x8: {  	v0 =	vimm.s32 $0x6E645A50;
	s21 =	simm.s32 $0x3;
	s1 =	sand.u32 $0x1, s1;
	s4 =	sshll.u32 s4, $0x1  }
0x9: {  	v1 =	vimm.s32 $0x160C0278;
	v2 =	vimm.s32 $0x1E140A00;
	s22 =	simm.s32 $0x5;
	[smem:$0x7FF] =	sst s5;
	s4 =	sor.u32 s1, s4  }
0xa: {  	v3 =	vimm.s32 $0x463C3228;
	v0 =	vunpack.c.0.s8.s32 v0;
	v1 =	vunpack.c.0.s8.s32 v1;
	s1 =	ssub.s32 $0x2, s1;
	_ =	strace $0x80000047;
	s29 =	sshll.u32 s4, $0xB  }
0xb: {  	vm0 =	vcmask $0x1F10;
	v2 =	vunpack.c.0.s8.s32 v2;
	v3 =	vunpack.c.0.s8.s32 v3;
	s30 =	sshrl.u32 s1, $0x1;
	s4 =	sshll.u32 s4, $0x5;
	s0 =	sadd.s32 s29, s0  }
0xc: {  	v1 =	vsel vm0, v1, v0;
	v0 =	vlaneseq.u32;
	s1 =	ssub.s32 s1, s30;
	[dreg:$0x4] =	wrdreg s4;
	s0 =	sadd.s32 $0x400, s0  }
0xd: {  	s23 =	simm.s32 $0x4;
	v2 =	vsel vm0, v3, v2;
	v0 =	vmul.u32 $0xA, v0;
	s31 =	smax.u32 s1, $0x1;
	[dreg:$0x5] =	wrdreg s0  }
0xe: {  	s24 =	simm.s32 $0x6;
	v1 =	vcombine.low v2, v1;
	s1 =	simm.s32 $0x0;
	[dreg:$0x6] =	wrdreg s31  }
.LBB2_1:
0xf: {  	[dreg:$0x7] =	wrdreg s1  }
0x10: {  	s0 =	simm.s32 $0x0;
	s7 =	rddreg [dreg:$0x5];
	s8 =	simm.s32 $0x7  }
0x11: {  	[tilespmem:s0], [sflag:$0x7] =	stream.linear.gather [hbm4b:s7+s0], $0x4000, $0x38;
	[tilespmem:$0x1E400] =	vst v63  }
0x12: {  	_ =	swait.ge [sflag:s8], $0x4000  }
0x13: {  	[sflag:s8] =	ssyncset.done $0x0  }
0x14: {  	[sflag:s8] =	ssyncadd.s32 $0xFFFFC000  }
0x15: {  	[tilespmem:s10], [sflag:$0x1] =	stream.indirect.gather [hbm4b:s2+s9], $0x80, s0, s9, $0xb8;
	[tilespmem:$0x1E400] =	vst v63  }
0x16: {  	s14 =	simm.s32 $0x5900  }
0x17: {  	[tilespmem:s14], [sflag:$0x1] =	stream.indirect.gather [hbm4b:s2+s9], $0x80, s11, s9, $0xb8;
	[tilespmem:$0x1E400] =	vst v63  }
0x18: {  	s15 =	simm.s32 $0x100;
	s16 =	simm.s32 $0x7200  }
0x19: {  	[tilespmem:s16], [sflag:$0x1] =	stream.indirect.gather [hbm4b:s2+s9], $0x80, s15, s9, $0xb8;
	[tilespmem:$0x1E400] =	vst v63  }
0x1a: {  	s28 =	simm.s32 $0x180;
	s30 =	simm.s32 $0x8B00  }
0x1b: {  	[tilespmem:s30], [sflag:$0x1] =	stream.indirect.gather [hbm4b:s2+s9], $0x80, s28, s9, $0xb8;
	[tilespmem:$0x1E400] =	vst v63  }
0x1c: {  	s31 =	simm.s32 $0x200  }
0x1d: {  	[tilespmem:s18], [sflag:$0x2] =	stream.indirect.gather [hbm4b:s2+s9], $0x80, s31, s9, $0xb8;
	[tilespmem:$0x1E400] =	vst v63  }
0x1e: {  	s1 =	simm.s32 $0x280;
	s4 =	simm.s32 $0xBD00  }
0x1f: {  	[tilespmem:s4], [sflag:$0x2] =	stream.indirect.gather [hbm4b:s2+s9], $0x80, s1, s9, $0xb8;
	[tilespmem:$0x1E400] =	vst v63  }
0x20: {  	s5 =	simm.s32 $0x300;
	s6 =	simm.s32 $0xD600  }
0x21: {  	[tilespmem:s6], [sflag:$0x2] =	stream.indirect.gather [hbm4b:s2+s9], $0x80, s5, s9, $0xb8;
	[tilespmem:$0x1E400] =	vst v63  }
0x22: {  	s7 =	simm.s32 $0x380;
	s8 =	simm.s32 $0xEF00  }
0x23: {  	[tilespmem:s8], [sflag:$0x2] =	stream.indirect.gather [hbm4b:s2+s9], $0x80, s7, s9, $0xb8;
	[tilespmem:$0x1E400] =	vst v63  }
0x24: {  	_ = 	snop  }
0x25: {  	[tilespmem:s26], [sflag:$0x3] =	stream.indirect.gather [hbm4b:s2+s9], $0x80, s25, s9, $0xb8;
	[tilespmem:$0x1E400] =	vst v63  }
0x26: {  	s14 =	simm.s32 $0x480;
	s15 =	simm.s32 $0x12100  }
0x27: {  	[tilespmem:s15], [sflag:$0x3] =	stream.indirect.gather [hbm4b:s2+s9], $0x80, s14, s9, $0xb8;
	[tilespmem:$0x1E400] =	vst v63  }
0x28: {  	s16 =	simm.s32 $0x500;
	s28 =	simm.s32 $0x13A00  }
0x29: {  	[tilespmem:s28], [sflag:$0x3] =	stream.indirect.gather [hbm4b:s2+s9], $0x80, s16, s9, $0xb8;
	[tilespmem:$0x1E400] =	vst v63  }
0x2a: {  	s29 =	simm.s32 $0x0;
	s30 =	simm.s32 $0x580;
	s31 =	simm.s32 $0x15300  }
0x2b: {  	[tilespmem:s31], [sflag:$0x3] =	stream.indirect.gather [hbm4b:s2+s9], $0x80, s30, s9, $0xb8;
	[tilespmem:$0x1E400] =	vst v63  }
.LBB2_2:
0x2c: {  	_ =	swait.ge [sflag:s12], $0x1900  }
0x2d: {  	[sflag:s12] =	ssyncset.done $0x0  }
0x2e: {  	[sflag:s12] =	ssyncadd.s32 $0xFFFFE700  }
0x2f: {  	_ =	swait.ge [sflag:s12], $0x1900  }
0x30: {  	[sflag:s12] =	ssyncset.done $0x0  }
0x31: {  	[sflag:s12] =	ssyncadd.s32 $0xFFFFE700  }
0x32: {  	_ =	swait.ge [sflag:s12], $0x1900  }
0x33: {  	[sflag:s12] =	ssyncset.done $0x0  }
0x34: {  	[sflag:s12] =	ssyncadd.s32 $0xFFFFE700  }
0x35: {  	s30 =	sshllo.u32 s29, $0x2;
	_ =	swait.ge [sflag:s12], $0x1900  }
0x36: {  	s0 =	sshll.u32 s30, $0x9;
	[sflag:s12] =	ssyncset.done $0x0  }
0x37: {  	s0 =	sand.u32 $0x3FFFFE00, s0;
	[sflag:s12] =	ssyncadd.s32 $0xFFFFE700  }
0x38: {  	[tilespmem:s13], [sflag:$0x4] =	stream.indirect.gather [hbm4b:s2+s9], $0x80, s0, s9, $0xb8;
	[tilespmem:$0x1E400] =	vst v63  }
0x39: {  	s4 =	simm.s32 $0x18500;
	s5 =	simm.s32 $0x19E00;
	s1 =	sor.u32 $0x80, s0  }
0x3a: {  	[tilespmem:s4], [sflag:$0x4] =	stream.indirect.gather [hbm4b:s2+s9], $0x80, s1, s9, $0xb8;
	[tilespmem:$0x1E400] =	vst v63  }
0x3b: {  	s6 =	simm.s32 $0x1B700;
	s7 =	simm.s32 $0x1E9;
	s4 =	sor.u32 $0x100, s0  }
0x3c: {  	[tilespmem:s5], [sflag:$0x4] =	stream.indirect.gather [hbm4b:s2+s9], $0x80, s4, s9, $0xb8;
	[tilespmem:$0x1E400] =	vst v63  }
0x3d: {  	p0 =	seq.s32 s29, $0x0;
	s8 =	simm.s32 $0x1E0;
	s0 =	sor.u32 $0x180, s0  }
0x3e: {  	v2 =	vadd.s32 s7, v0;
	[tilespmem:s6], [sflag:$0x4] =	stream.indirect.gather [hbm4b:s2+s9], $0x80, s0, s9, $0xb8;
	[tilespmem:$0x1E400] =	vst v63  }
0x3f: {  	s14 =	simm.s32 $0x1E1;
	v3 =	vadd.s32 s8, v0;
	s0 =	simm.s32 @!p0 $0x5  }
0x40: {  	s15 =	simm.s32 $0x1E2;
	v4 =	vadd.s32 s14, v0;
	_ =	swait.ge @!p0 [sflag:s0], $0xA00  }
0x41: {  	s16 =	simm.s32 $0x1E4;
	v5 =	vadd.s32 s15, v0;
	[sflag:s0] =	ssyncset.done @!p0 $0x0  }
0x42: {  	s28 =	simm.s32 $0x1E5;
	v6 =	vadd.s32 s16, v0;
	[sflag:s0] =	ssyncadd.s32 @!p0 $0xFFFFF600  }
0x43: {  	s31 =	simm.s32 $0x1E6;
	v7 =	vadd.s32 s28, v0;
	v2 =	vld.idx.msk [tilespmem:v2+s10+$0x0], $0xffff  }
0x44: {  	v8 =	vadd.s32 s31, v0;
	s1 =	simm.s32 $0x1E7;
	v3 =	vld.idx.msk [tilespmem:v3+s10+$0x0], $0xffff  }
0x45: {  	v9 =	vadd.s32 s1, v0;
	s4 =	simm.s32 $0x1E3;
	v4 =	vld.idx.msk [tilespmem:v4+s10+$0x0], $0xffff  }
0x46: {  	s5 =	simm.s32 $0x1E8;
	v10 =	vadd.s32 s4, v0;
	v5 =	vld.idx.msk [tilespmem:v5+s10+$0x0], $0xffff  }
0x47: {  	s7 =	simm.s32 $0x5;
	v11 =	vadd.s32 s5, v0;
	v6 =	vld.idx.msk [tilespmem:v6+s10+$0x0], $0xffff  }
0x48: {  	s8 =	simm.s32 $0x6;
	v13 =	vadd.s32 s7, v0;
	v7 =	vld.idx.msk [tilespmem:v7+s10+$0x0], $0xffff  }
0x49: {  	s14 =	simm.s32 $0x7;
	v14 =	vadd.s32 s8, v0;
	v8 =	vld.idx.msk [tilespmem:v8+s10+$0x0], $0xffff  }
0x4a: {  	s15 =	simm.s32 $0xA4;
	v15 =	vadd.s32 s14, v0;
	v9 =	vld.idx.msk [tilespmem:v9+s10+$0x0], $0xffff  }
0x4b: {  	s16 =	simm.s32 $0xA5;
	v16 =	vadd.s32 s15, v0;
	v10 =	vld.idx.msk [tilespmem:v10+s10+$0x0], $0xffff  }
0x4c: {  	s28 =	simm.s32 $0xA6;
	v17 =	vadd.s32 s16, v0;
	v11 =	vld.idx.msk [tilespmem:v11+s10+$0x0], $0xffff  }
0x4d: {  	s31 =	simm.s32 $0xA7;
	v18 =	vadd.s32 s28, v0;
	v13 =	vld.idx.msk [tilespmem:v13+s10+$0x0], $0xffff  }
0x4e: {  	v19 =	vadd.s32 s31, v0;
	s1 =	simm.s32 $0x144;
	v14 =	vld.idx.msk [tilespmem:v14+s10+$0x0], $0xffff  }
0x4f: {  	s14 =	simm.s32 $0x2;
	v20 =	vadd.s32 s1, v0;
	v15 =	vld.idx.msk [tilespmem:v15+s10+$0x0], $0xffff  }
0x50: {  	s15 =	simm.s32 $0x3;
	v26 =	vadd.s32 s14, v0;
	v22 =	vld.idx.msk [tilespmem:v16+s10+$0x0], $0xffff  }
0x51: {  	v27 =	vadd.s32 s15, v0;
	s4 =	simm.s32 $0x145;
	v24 =	vld.idx.msk [tilespmem:v17+s10+$0x0], $0xffff  }
0x52: {  	s6 =	simm.s32 $0x4;
	v21 =	vadd.s32 s4, v0;
	v18 =	vld.idx.msk [tilespmem:v18+s10+$0x0], $0xffff  }
0x53: {  	s5 =	simm.s32 $0x146;
	v12 =	vadd.s32 s6, v0;
	s6 =	simm.s32 $0x0;
	v19 =	vld.idx.msk [tilespmem:v19+s10+$0x0], $0xffff  }
0x54: {  	s7 =	simm.s32 $0x147;
	v23 =	vadd.s32 s6, v0;
	v16 =	vadd.s32 s5, v0;
	v20 =	vld.idx.msk [tilespmem:v20+s10+$0x0], $0xffff  }
0x55: {  	v23 =	vand.u32 $0x1FF80, v23;
	v17 =	vadd.s32 s7, v0;
	v58 =	vld.idx.msk [tilespmem:v26+s10+$0x0], $0xffff  }
0x56: {  	s8 =	simm.s32 $0x1;
	v23 =	vor.u32 v1, v23;
	v59 =	vld.idx.msk [tilespmem:v27+s10+$0x0], $0xffff  }
0x57: {  	v25 =	vadd.s32 s8, v0;
	s6 =	simm.s32 $0xA3;
	v21 =	vld.idx.msk [tilespmem:v21+s10+$0x0], $0xffff  }
0x58: {  	s16 =	simm.s32 $0x8;
	v60 =	vadd.s32 s6, v0;
	v12 =	vld.idx.msk [tilespmem:v12+s10+$0x0], $0xffff  }
0x59: {  	s28 =	simm.s32 $0x9;
	v28 =	vld.idx.msk [tilespmem:v16+s10+$0x0], $0xffff;
	v16 =	vadd.s32 s16, v0  }
0x5a: {  	s31 =	simm.s32 $0xA0;
	v29 =	vld.idx.msk [tilespmem:v17+s10+$0x0], $0xffff;
	v17 =	vadd.s32 s28, v0;
	v6 =	vadd.f32 v7, v6  }
0x5b: {  	s4 =	simm.s32 $0xA1;
	v7 =	vadd.f32 v9, v8;
	v8 =	vld.idx.msk [tilespmem:v23+s10+$0x0], $0xffff;
	v9 =	vadd.s32 s31, v0;
	v3 =	vadd.f32 v4, v3  }
0x5c: {  	s5 =	simm.s32 $0xA2;
	v4 =	vadd.f32 v10, v5;
	v5 =	vld.idx.msk [tilespmem:v25+s10+$0x0], $0xffff;
	v10 =	vadd.s32 s4, v0;
	v2 =	vadd.f32 v2, v11  }
0x5d: {  	s7 =	simm.s32 $0xA8;
	v11 =	vadd.f32 v15, v14;
	v15 =	vld.idx.msk [tilespmem:v60+s10+$0x0], $0xffff;
	v6 =	vadd.f32 v7, v6;
	v7 =	vadd.s32 s5, v0  }
0x5e: {  	s8 =	simm.s32 $0xA9;
	v18 =	vadd.f32 v19, v18;
	v3 =	vadd.f32 v4, v3;
	v4 =	vadd.s32 s7, v0;
	v61 =	vld.idx.msk [tilespmem:v16+s10+$0x0], $0xffff  }
0x5f: {  	s14 =	simm.s32 $0x140;
	v2 =	vadd.f32 v2, v6;
	v6 =	vadd.f32 v13, v12;
	v12 =	vadd.s32 s8, v0;
	v13 =	vld.idx.msk [tilespmem:v17+s10+$0x0], $0xffff  }
0x60: {  	s15 =	simm.s32 $0x141;
	v30 =	vadd.s32 s14, v0;
	v23 =	vadd.f32 v59, v58;
	v19 =	vadd.f32 v21, v20;
	v16 =	vld.idx.msk [tilespmem:v9+s10+$0x0], $0xffff  }
0x61: {  	s16 =	simm.s32 $0x142;
	v9 =	vadd.s32 s15, v0;
	v17 =	vld.idx.msk [tilespmem:v10+s10+$0x0], $0xffff;
	v20 =	vadd.f32 v29, v28;
	v2 =	vadd.f32 v2, v3  }
0x62: {  	s28 =	simm.s32 $0x143;
	v11 =	vadd.f32 v11, v6;
	v6 =	vadd.s32 s16, v0;
	v3 =	vadd.f32 v24, v22;
	v14 =	vld.idx.msk [tilespmem:v7+s10+$0x0], $0xffff  }
0x63: {  	s31 =	simm.s32 $0x148;
	v63 =	vadd.f32 v5, v8;
	v7 =	vadd.s32 s28, v0;
	v5 =	vld.idx.msk [tilespmem:v4+s10+$0x0], $0xffff;
	v62 =	vmul.f32 $1.000000010e-01, v2  }
0x64: {  	s1 =	simm.s32 $0x1D020;
	s0 =	sshll.u32 s29, $0x2;
	s6 =	simm.s32 $0x149;
	v10 =	vadd.s32 s31, v0;
	v3 =	vadd.f32 v18, v3;
	v12 =	vld.idx.msk [tilespmem:v12+s10+$0x0], $0xffff;
	v18 =	vadd.f32 v13, v61  }
0x65: {  	s4 =	simm.s32 $0x0;
	s7 =	simm.s32 $0x1D020;
	v8 =	vadd.s32 s6, v0;
	s6 =	simm.s32 $0x469;
	v4 =	vadd.f32 v23, v63;
	v2 =	vadd.f32 v20, v19;
	[tilespmem:s1+$0x10] =	vst v62;
	v13 =	vld.idx.msk [tilespmem:v30+s10+$0x0], $0xffff  }
.LBB2_3:
0x66: {  	s8 =	sadd.s32 $0xFFFFFE1B, s6;
	s31 =	sadd.s32 $0xFFFFFE1C, s6;
	s28 =	sadd.s32 $0xFFFFFFF7, s6;
	v19 =	vadd.s32 s6, v0;
	v11 =	vadd.f32 v18, v11;
	v16 =	vadd.f32 v17, v16;
	v17 =	vld.idx.msk [tilespmem:v9+s10+$0x0], $0xffff  }
0x67: {  	v18 =	vadd.s32 s8, v0;
	v20 =	vadd.s32 s31, v0;
	s8 =	sadd.s32 $0xFFFFFE1D, s6;
	s31 =	sadd.s32 $0xFFFFFE1E, s6;
	v9 =	vadd.s32 s28, v0;
	s28 =	sadd.s32 $0xFFFFFFF8, s6;
	v21 =	vld.idx.msk [tilespmem:v6+s10+$0x0], $0xffff  }
0x68: {  	v22 =	vadd.s32 s8, v0;
	v23 =	vadd.s32 s31, v0;
	s8 =	sadd.s32 $0xFFFFFEBB, s6;
	s31 =	sadd.s32 $0xFFFFFEBC, s6;
	v6 =	vadd.s32 s28, v0;
	s28 =	sadd.s32 $0xFFFFFFF9, s6;
	v24 =	vld.idx.msk [tilespmem:v7+s10+$0x0], $0xffff  }
0x69: {  	v25 =	vadd.s32 s8, v0;
	v26 =	vadd.s32 s31, v0;
	s8 =	sadd.s32 $0xFFFFFEBD, s6;
	s31 =	sadd.s32 $0xFFFFFEBE, s6;
	v7 =	vadd.s32 s28, v0;
	s28 =	sadd.s32 $0xFFFFFFFB, s6;
	v27 =	vld.idx.msk [tilespmem:v10+s10+$0x0], $0xffff  }
0x6a: {  	v28 =	vadd.s32 s8, v0;
	v29 =	vadd.s32 s31, v0;
	s8 =	sadd.s32 $0xFFFFFF5B, s6;
	s31 =	sadd.s32 $0xFFFFFF5C, s6;
	v10 =	vadd.s32 s28, v0;
	s28 =	sadd.s32 $0xFFFFFFFC, s6;
	v30 =	vld.idx.msk [tilespmem:v8+s10+$0x0], $0xffff  }
0x6b: {  	v31 =	vadd.s32 s8, v0;
	v32 =	vadd.s32 s31, v0;
	s8 =	sadd.s32 $0xFFFFFF5D, s6;
	s31 =	sadd.s32 $0xFFFFFF5E, s6;
	v8 =	vadd.s32 s28, v0;
	s28 =	sadd.s32 $0xFFFFFFFD, s6;
	v19 =	vld.idx.msk [tilespmem:v19+s10+$0x0], $0xffff  }
0x6c: {  	s14 =	sadd.s32 $0xFFFFFE17, s6;
	s4 =	sadd.s32 $0x4, s4;
	v33 =	vadd.s32 s8, v0;
	v34 =	vadd.s32 s31, v0;
	v35 =	vld.idx.msk [tilespmem:v9+s10+$0x0], $0xffff;
	v9 =	vadd.s32 s28, v0;
	s8 =	sadd.s32 $0xFFFFFFFE, s6  }
0x6d: {  	v36 =	vadd.s32 s14, v0;
	s14 =	sadd.s32 $0xFFFFFE18, s6;
	p0 =	slt.u32 s4, $0x9C;
	v14 =	vadd.f32 v15, v14;
	s28 =	sadd.s32 $0xFFFFFFFA, s6;
	v37 =	vld.idx.msk [tilespmem:v6+s10+$0x0], $0xffff;
	v6 =	vadd.s32 s8, v0  }
0x6e: {  	v15 =	vand.u32 $0x1FF80, v36;
	v36 =	vadd.s32 s14, v0;
	s14 =	sadd.s32 $0xFFFFFE1A, s6;
	s8 =	sadd.s32 $0xFFFFFE19, s6;
	v38 =	vld.idx.msk [tilespmem:v7+s10+$0x0], $0xffff;
	v7 =	vadd.s32 s28, v0;
	s28 =	sadd.s32 $0xFFFFFFFF, s6  }
0x6f: {  	s15 =	sadd.s32 $0xFFFFFEB7, s6;
	v15 =	vor.u32 v1, v15;
	s31 =	sadd.s32 $0xFFFFFE20, s6;
	v39 =	vadd.s32 s8, v0;
	s8 =	sadd.s32 $0xFFFFFE1F, s6;
	v40 =	vld.idx.msk [tilespmem:v10+s10+$0x0], $0xffff;
	v41 =	vadd.s32 s28, v0  }
0x70: {  	v42 =	vadd.s32 s14, v0;
	s14 =	sadd.s32 $0xFFFFFEB9, s6;
	v44 =	vadd.s32 s31, v0;
	v43 =	vadd.s32 s8, v0;
	s8 =	sadd.s32 $0xFFFFFEB8, s6;
	s28 =	sadd.s32 $0xFFFFFEBA, s6;
	v45 =	vld.idx.msk [tilespmem:v8+s10+$0x0], $0xffff  }
0x71: {  	v46 =	vadd.s32 s15, v0;
	s15 =	sadd.s32 $0xFFFFFF57, s6;
	v48 =	vadd.s32 s14, v0;
	s14 =	sadd.s32 $0xFFFFFEC0, s6;
	v47 =	vadd.s32 s8, v0;
	s8 =	sadd.s32 $0xFFFFFEBF, s6;
	v49 =	vld.idx.msk [tilespmem:v9+s10+$0x0], $0xffff  }
0x72: {  	v52 =	vadd.s32 s14, v0;
	s14 =	sadd.s32 $0xFFFFFF59, s6;
	v50 =	vadd.s32 s28, v0;
	s28 =	sadd.s32 $0xFFFFFF5A, s6;
	v51 =	vadd.s32 s8, v0;
	s8 =	sadd.s32 $0xFFFFFF58, s6;
	v53 =	vld.idx.msk [tilespmem:v6+s10+$0x0], $0xffff  }
0x73: {  	v54 =	vadd.s32 s15, v0;
	v9 =	vadd.s32 s8, v0;
	v6 =	vadd.s32 s14, v0;
	s8 =	sadd.s32 $0xFFFFFF5F, s6;
	s14 =	sadd.s32 $0xFFFFFF60, s6;
	v55 =	vld.idx.msk [tilespmem:v7+s10+$0x0], $0xffff  }
0x74: {  	v7 =	vadd.s32 s28, v0;
	v10 =	vadd.s32 s8, v0;
	v8 =	vadd.s32 s14, v0;
	v41 =	vld.idx.msk [tilespmem:v41+s10+$0x0], $0xffff  }
0x75: {  	v5 =	vadd.f32 v12, v5;
	v12 =	vadd.f32 v17, v13;
	v18 =	vld.idx.msk [tilespmem:v18+s10+$0x0], $0xffff  }
0x76: {  	v17 =	vadd.f32 v24, v21;
	v13 =	vld.idx.msk [tilespmem:v20+s10+$0x0], $0xffff;
	v20 =	vadd.f32 v30, v27  }
0x77: {  	v14 =	vadd.f32 v14, v16;
	v3 =	vadd.f32 v5, v3;
	v21 =	vld.idx.msk [tilespmem:v22+s10+$0x0], $0xffff  }
0x78: {  	v16 =	vadd.f32 v45, v40;
	v22 =	vadd.f32 v53, v49;
	v5 =	vld.idx.msk [tilespmem:v23+s10+$0x0], $0xffff  }
0x79: {  	v24 =	vadd.f32 v37, v35;
	v23 =	vld.idx.msk [tilespmem:v25+s10+$0x0], $0xffff;
	v25 =	vadd.f32 v55, v38  }
0x7a: {  	v16 =	vadd.f32 v22, v16;
	v19 =	vadd.f32 v19, v41;
	v26 =	vld.idx.msk [tilespmem:v26+s10+$0x0], $0xffff  }
0x7b: {  	v12 =	vadd.f32 v17, v12;
	v2 =	vadd.f32 v20, v2;
	v22 =	vld.idx.msk [tilespmem:v28+s10+$0x0], $0xffff  }
0x7c: {  	v20 =	vadd.f32 v25, v24;
	v16 =	vadd.f32 v19, v16;
	v17 =	vld.idx.msk [tilespmem:v29+s10+$0x0], $0xffff  }
0x7d: {  	v4 =	vadd.f32 v11, v4;
	v13 =	vadd.f32 v13, v18;
	v18 =	vld.idx.msk [tilespmem:v31+s10+$0x0], $0xffff  }
0x7e: {  	v5 =	vadd.f32 v5, v21;
	v16 =	vadd.f32 v16, v20;
	v19 =	vld.idx.msk [tilespmem:v32+s10+$0x0], $0xffff  }
0x7f: {  	v4 =	vmul.f32 $1.000000010e-01, v4;
	v3 =	vadd.f32 v3, v14;
	v2 =	vadd.f32 v2, v12;
	v20 =	vld.idx.msk [tilespmem:v33+s10+$0x0], $0xffff  }
0x80: {  	v11 =	vadd.f32 v5, v13;
	v5 =	vadd.f32 v26, v23;
	v13 =	vmul.f32 $1.000000010e-01, v16;
	v12 =	vld.idx.msk [tilespmem:v34+s10+$0x0], $0xffff  }
0x81: {  	s7 =	sadd.s32 $0x40, s7;
	v3 =	vmul.f32 $1.000000010e-01, v3;
	v2 =	vmul.f32 $1.000000010e-01, v2;
	v14 =	vld.idx.msk [tilespmem:v15+s10+$0x0], $0xffff;
	[tilespmem:s1+$0xFFFFFFE0] =	vst v4  }
0x82: {  	v15 =	vadd.f32 v17, v22;
	v4 =	vld.idx.msk [tilespmem:v36+s10+$0x0], $0xffff;
	[tilespmem:s7+$0x10] =	vst v13  }
0x83: {  	v13 =	vld.idx.msk [tilespmem:v39+s10+$0x0], $0xffff;
	[tilespmem:s1+$0xFFFFFFF0] =	vst v3  }
0x84: {  	v3 =	vadd.f32 v15, v5;
	v5 =	vadd.f32 v19, v18;
	v21 =	vld.idx.msk [tilespmem:v42+s10+$0x0], $0xffff;
	[tilespmem:s1+$0x0] =	vst v2;
	s1 =	smov.u32 s7  }
0x85: {  	v18 =	vld.idx.msk [tilespmem:v43+s10+$0x0], $0xffff  }
0x86: {  	v2 =	vadd.f32 v12, v20;
	v19 =	vld.idx.msk [tilespmem:v44+s10+$0x0], $0xffff  }
0x87: {  	v16 =	vld.idx.msk [tilespmem:v46+s10+$0x0], $0xffff  }
0x88: {  	v4 =	vadd.f32 v4, v14;
	v2 =	vadd.f32 v2, v5;
	v17 =	vld.idx.msk [tilespmem:v47+s10+$0x0], $0xffff  }
.Ltmp0:
0x89: {  	v14 =	vld.idx.msk [tilespmem:v48+s10+$0x0], $0xffff;
	(pc) =	sbr.rel @p0 .LBB2_3-.Ltmp0, $4  }
0x8a: {  	v12 =	vadd.f32 v21, v13;
	v15 =	vld.idx.msk [tilespmem:v50+s10+$0x0], $0xffff  }
0x8b: {  	v5 =	vld.idx.msk [tilespmem:v51+s10+$0x0], $0xffff  }
0x8c: {  	v4 =	vadd.f32 v12, v4;
	v18 =	vadd.f32 v19, v18;
	v12 =	vld.idx.msk [tilespmem:v52+s10+$0x0], $0xffff  }
0x8d: {  	s6 =	sadd.s32 $0x280, s6;
	v13 =	vld.idx.msk [tilespmem:v54+s10+$0x0], $0xffff  }
0x8e: {  	_ =	sdelay $0x3  }
0x8f: {  	v9 =	vld.idx.msk [tilespmem:v9+s10+$0x0], $0xffff  }
0x90: {  	v6 =	vld.idx.msk [tilespmem:v6+s10+$0x0], $0xffff  }
0x91: {  	v7 =	vld.idx.msk [tilespmem:v7+s10+$0x0], $0xffff  }
0x92: {  	v10 =	vld.idx.msk [tilespmem:v10+s10+$0x0], $0xffff  }
0x93: {  	v8 =	vld.idx.msk [tilespmem:v8+s10+$0x0], $0xffff  }
0x94: {  	v11 =	vadd.f32 v18, v11  }
0x95: {  	v16 =	vadd.f32 v17, v16  }
0x96: {  	v14 =	vadd.f32 v15, v14;
	v4 =	vadd.f32 v11, v4  }
0x97: {  	v5 =	vadd.f32 v12, v5;
	v9 =	vadd.f32 v9, v13  }
0x98: {  	v6 =	vadd.f32 v7, v6;
	v7 =	vadd.f32 v8, v10  }
0x99: {  	s4 =	rddreg [dreg:$0x4];
	v8 =	vadd.f32 v14, v16;
	v3 =	vadd.f32 v5, v3  }
0x9a: {  	s0 =	sadd.s32 s4, s0;
	v5 =	vadd.f32 v6, v9;
	v2 =	vadd.f32 v7, v2  }
0x9b: {  	s0 =	sshrl.u32 s0, $0x3;
	v3 =	vadd.f32 v3, v8  }
0x9c: {  	s8 =	sshll.u32 s29, $0x9;
	s31 =	smul.u32 $0x5000, s0;
	v4 =	vmul.f32 $1.000000010e-01, v4;
	v2 =	vadd.f32 v2, v5  }
0x9d: {  	s0 =	sand.u32 $0x200, s8;
	v3 =	vmul.f32 $1.000000010e-01, v3  }
0x9e: {  	s0 =	sor.u32 s0, s31;
	[tilespmem:s1+$0xFFFFFFE0] =	vst v4;
	v2 =	vmul.f32 $1.000000010e-01, v2  }
0x9f: {  	s0 =	sshrl.u32 s0, $0x3;
	[tilespmem:s1+$0xFFFFFFF0] =	vst v3  }
0xa0: {  	s14 =	sadd.s32 s3, s0;
	[tilespmem:s1+$0x0] =	vst v2  }
0xa1: {  	[hbm4b:s14+s11] =	stream.strided.scatter [tilespmem:s17], [sflag:$0x5], $0xA00, s25, s11, $0x38;
	[tilespmem:$0x1E400] =	vst v63  }
0xa2: {  	_ =	swait.ge [sflag:s19], $0x1900  }
0xa3: {  	[sflag:s19] =	ssyncset.done $0x0  }
0xa4: {  	[sflag:s19] =	ssyncadd.s32 $0xFFFFE700  }
0xa5: {  	_ =	swait.ge [sflag:s19], $0x1900  }
0xa6: {  	[sflag:s19] =	ssyncset.done $0x0  }
0xa7: {  	[sflag:s19] =	ssyncadd.s32 $0xFFFFE700  }
0xa8: {  	_ =	swait.ge [sflag:s19], $0x1900  }
0xa9: {  	[sflag:s19] =	ssyncset.done $0x0  }
0xaa: {  	p0 =	seq.s32 s29, $0x7;
	s15 =	simm.s32 $0x1E9;
	[sflag:s19] =	ssyncadd.s32 $0xFFFFE700  }
0xab: {  	s16 =	simm.s32 $0x1E0;
	s1 =	sshll.u32 @!p0 s29, $0xB;
	_ =	swait.ge [sflag:s19], $0x1900  }
0xac: {  	s6 =	simm.s32 @!p0 $0x32;
	s1 =	sand.u32 @!p0 $0x3FFFF800, s1;
	[sflag:s19] =	ssyncset.done $0x0  }
0xad: {  	s7 =	simm.s32 @!p0 $0x4000;
	s4 =	sadd.s32 @!p0 $0x800, s1;
	[sflag:s19] =	ssyncadd.s32 $0xFFFFE700  }
0xae: {  	[tilespmem:s7], [sflag:$0x1] =	stream.indirect.gather @!p0 [hbm4b:s2+s6], $0x80, s4, s6, $0xb8;
	[tilespmem:$0x1E400] =	vst v63  }
0xaf: {  	s28 =	simm.s32 $0x1E1;
	s4 =	sadd.s32 @!p0 $0x880, s1;
	s7 =	simm.s32 @!p0 $0x5900  }
0xb0: {  	[tilespmem:s7], [sflag:$0x1] =	stream.indirect.gather @!p0 [hbm4b:s2+s6], $0x80, s4, s6, $0xb8;
	[tilespmem:$0x1E400] =	vst v63  }
0xb1: {  	p1 =	seq.s32 @!p0 s29, $0x0;
	s4 =	sadd.s32 @!p0 $0x900, s1;
	s7 =	simm.s32 @!p0 $0x7200  }
0xb2: {  	[tilespmem:s7], [sflag:$0x1] =	stream.indirect.gather @!p0 [hbm4b:s2+s6], $0x80, s4, s6, $0xb8;
	[tilespmem:$0x1E400] =	vst v63  }
0xb3: {  	p1 =	por p0, !p1;
	v2 =	vadd.s32 s15, v0;
	s4 =	sadd.s32 @!p0 $0x980, s1;
	s7 =	simm.s32 @!p0 $0x8B00  }
0xb4: {  	v3 =	vadd.s32 s16, v0;
	[tilespmem:s7], [sflag:$0x1] =	stream.indirect.gather @!p0 [hbm4b:s2+s6], $0x80, s4, s6, $0xb8;
	[tilespmem:$0x1E400] =	vst v63  }
0xb5: {  	s5 =	simm.s32 $0x1E2;
	v4 =	vadd.s32 s28, v0;
	_ =	swait.ge @p1 [sflag:s24], $0xA00  }
0xb6: {  	s8 =	simm.s32 $0x1E6;
	v5 =	vadd.s32 s5, v0;
	[sflag:s24] =	ssyncset.done @p1 $0x0  }
0xb7: {  	v8 =	vadd.s32 s8, v0;
	s14 =	simm.s32 $0x1E7;
	[sflag:s24] =	ssyncadd.s32 @p1 $0xFFFFF600  }
0xb8: {  	s15 =	simm.s32 $0x1E3;
	v9 =	vadd.s32 s14, v0;
	v2 =	vld.idx.msk [tilespmem:v2+s18+$0x0], $0xffff  }
0xb9: {  	s16 =	simm.s32 $0x1E8;
	v10 =	vadd.s32 s15, v0;
	v3 =	vld.idx.msk [tilespmem:v3+s18+$0x0], $0xffff  }
0xba: {  	s28 =	simm.s32 $0x4;
	v11 =	vadd.s32 s16, v0;
	v4 =	vld.idx.msk [tilespmem:v4+s18+$0x0], $0xffff  }
0xbb: {  	v12 =	vadd.s32 s28, v0;
	s5 =	simm.s32 $0x5;
	v5 =	vld.idx.msk [tilespmem:v5+s18+$0x0], $0xffff  }
0xbc: {  	s8 =	simm.s32 $0xA4;
	v13 =	vadd.s32 s5, v0;
	v8 =	vld.idx.msk [tilespmem:v8+s18+$0x0], $0xffff  }
0xbd: {  	v16 =	vadd.s32 s8, v0;
	s14 =	simm.s32 $0xA5;
	v9 =	vld.idx.msk [tilespmem:v9+s18+$0x0], $0xffff  }
0xbe: {  	s15 =	simm.s32 $0xA6;
	v17 =	vadd.s32 s14, v0;
	v10 =	vld.idx.msk [tilespmem:v10+s18+$0x0], $0xffff  }
0xbf: {  	s16 =	simm.s32 $0xA7;
	v18 =	vadd.s32 s15, v0;
	v11 =	vld.idx.msk [tilespmem:v11+s18+$0x0], $0xffff  }
0xc0: {  	s28 =	simm.s32 $0x144;
	v19 =	vadd.s32 s16, v0;
	v12 =	vld.idx.msk [tilespmem:v12+s18+$0x0], $0xffff  }
0xc1: {  	v20 =	vadd.s32 s28, v0;
	s5 =	simm.s32 $0x145;
	v13 =	vld.idx.msk [tilespmem:v13+s18+$0x0], $0xffff  }
0xc2: {  	v21 =	vadd.s32 s5, v0;
	s15 =	simm.s32 $0x2;
	v22 =	vld.idx.msk [tilespmem:v16+s18+$0x0], $0xffff  }
0xc3: {  	s16 =	simm.s32 $0x3;
	v26 =	vadd.s32 s15, v0;
	v24 =	vld.idx.msk [tilespmem:v17+s18+$0x0], $0xffff  }
0xc4: {  	v27 =	vadd.s32 s16, v0;
	s6 =	simm.s32 $0x1E4;
	v18 =	vld.idx.msk [tilespmem:v18+s18+$0x0], $0xffff  }
0xc5: {  	s7 =	simm.s32 $0x1E5;
	v6 =	vadd.s32 s6, v0;
	v19 =	vld.idx.msk [tilespmem:v19+s18+$0x0], $0xffff  }
0xc6: {  	v7 =	vadd.s32 s7, v0;
	s6 =	simm.s32 $0x6;
	v20 =	vld.idx.msk [tilespmem:v20+s18+$0x0], $0xffff  }
0xc7: {  	s7 =	simm.s32 $0x7;
	v14 =	vadd.s32 s6, v0;
	v21 =	vld.idx.msk [tilespmem:v21+s18+$0x0], $0xffff  }
0xc8: {  	v15 =	vadd.s32 s7, v0;
	s6 =	simm.s32 $0x146;
	v58 =	vld.idx.msk [tilespmem:v26+s18+$0x0], $0xffff  }
0xc9: {  	s8 =	simm.s32 $0x147;
	s7 =	simm.s32 $0x0;
	v16 =	vadd.s32 s6, v0;
	v59 =	vld.idx.msk [tilespmem:v27+s18+$0x0], $0xffff  }
0xca: {  	s14 =	simm.s32 $0x1;
	v23 =	vadd.s32 s7, v0;
	v17 =	vadd.s32 s8, v0;
	v6 =	vld.idx.msk [tilespmem:v6+s18+$0x0], $0xffff  }
0xcb: {  	v25 =	vadd.s32 s14, v0;
	v23 =	vand.u32 $0x1FF80, v23;
	v7 =	vld.idx.msk [tilespmem:v7+s18+$0x0], $0xffff  }
0xcc: {  	s15 =	simm.s32 $0xA3;
	v23 =	vor.u32 v1, v23;
	v14 =	vld.idx.msk [tilespmem:v14+s18+$0x0], $0xffff  }
0xcd: {  	s28 =	simm.s32 $0x8;
	v60 =	vadd.s32 s15, v0;
	v15 =	vld.idx.msk [tilespmem:v15+s18+$0x0], $0xffff  }
0xce: {  	s5 =	simm.s32 $0x9;
	v28 =	vld.idx.msk [tilespmem:v16+s18+$0x0], $0xffff;
	v16 =	vadd.s32 s28, v0  }
0xcf: {  	s8 =	simm.s32 $0xA1;
	v29 =	vld.idx.msk [tilespmem:v17+s18+$0x0], $0xffff;
	v17 =	vadd.s32 s5, v0;
	v3 =	vadd.f32 v4, v3;
	v4 =	vadd.f32 v10, v5  }
0xd0: {  	s7 =	simm.s32 $0xA0;
	v5 =	vld.idx.msk [tilespmem:v25+s18+$0x0], $0xffff;
	v10 =	vadd.s32 s8, v0;
	v6 =	vadd.f32 v7, v6;
	v7 =	vadd.f32 v9, v8  }
0xd1: {  	s16 =	simm.s32 $0xA8;
	v2 =	vadd.f32 v2, v11;
	v8 =	vld.idx.msk [tilespmem:v23+s18+$0x0], $0xffff;
	v9 =	vadd.s32 s7, v0;
	v3 =	vadd.f32 v4, v3  }
0xd2: {  	s14 =	simm.s32 $0xA2;
	v4 =	vadd.s32 s16, v0;
	v11 =	vadd.f32 v15, v14;
	v15 =	vld.idx.msk [tilespmem:v60+s18+$0x0], $0xffff;
	v6 =	vadd.f32 v7, v6  }
0xd3: {  	s28 =	simm.s32 $0xA9;
	v18 =	vadd.f32 v19, v18;
	v7 =	vadd.s32 s14, v0;
	v61 =	vld.idx.msk [tilespmem:v16+s18+$0x0], $0xffff  }
0xd4: {  	s5 =	simm.s32 $0x140;
	v2 =	vadd.f32 v2, v6;
	v6 =	vadd.f32 v13, v12;
	v13 =	vld.idx.msk [tilespmem:v17+s18+$0x0], $0xffff;
	v12 =	vadd.s32 s28, v0  }
0xd5: {  	s8 =	simm.s32 $0x141;
	v19 =	vadd.f32 v21, v20;
	v30 =	vadd.s32 s5, v0;
	v23 =	vadd.f32 v59, v58;
	v17 =	vld.idx.msk [tilespmem:v10+s18+$0x0], $0xffff  }
0xd6: {  	s14 =	simm.s32 $0x142;
	v16 =	vld.idx.msk [tilespmem:v9+s18+$0x0], $0xffff;
	v9 =	vadd.s32 s8, v0;
	v63 =	vadd.f32 v5, v8;
	v2 =	vadd.f32 v2, v3  }
0xd7: {  	s15 =	simm.s32 $0x143;
	v5 =	vld.idx.msk [tilespmem:v4+s18+$0x0], $0xffff;
	v11 =	vadd.f32 v11, v6;
	v6 =	vadd.s32 s14, v0;
	v3 =	vadd.f32 v24, v22  }
0xd8: {  	s16 =	simm.s32 $0x148;
	v20 =	vadd.f32 v29, v28;
	v14 =	vld.idx.msk [tilespmem:v7+s18+$0x0], $0xffff;
	v7 =	vadd.s32 s15, v0;
	v62 =	vmul.f32 $1.000000010e-01, v2  }
0xd9: {  	s4 =	simm.s32 $0x1DA20;
	s28 =	simm.s32 $0x149;
	v10 =	vadd.s32 s16, v0;
	v3 =	vadd.f32 v18, v3;
	v12 =	vld.idx.msk [tilespmem:v12+s18+$0x0], $0xffff;
	v18 =	vadd.f32 v13, v61  }
0xda: {  	s6 =	simm.s32 $0x0;
	s7 =	simm.s32 $0x469;
	v8 =	vadd.s32 s28, v0;
	s8 =	simm.s32 $0x1DA20;
	v4 =	vadd.f32 v23, v63;
	v2 =	vadd.f32 v20, v19;
	v13 =	vld.idx.msk [tilespmem:v30+s18+$0x0], $0xffff;
	[tilespmem:s4+$0x10] =	vst v62  }
.LBB2_5:
0xdb: {  	s14 =	sadd.s32 $0xFFFFFE1B, s7;
	s15 =	sadd.s32 $0xFFFFFE1C, s7;
	s28 =	sadd.s32 $0xFFFFFFF7, s7;
	v19 =	vadd.s32 s7, v0;
	v11 =	vadd.f32 v18, v11;
	v16 =	vadd.f32 v17, v16;
	v17 =	vld.idx.msk [tilespmem:v9+s18+$0x0], $0xffff  }
0xdc: {  	v18 =	vadd.s32 s14, v0;
	v20 =	vadd.s32 s15, v0;
	s14 =	sadd.s32 $0xFFFFFE1D, s7;
	s15 =	sadd.s32 $0xFFFFFE1E, s7;
	v9 =	vadd.s32 s28, v0;
	s28 =	sadd.s32 $0xFFFFFFF8, s7;
	v21 =	vld.idx.msk [tilespmem:v6+s18+$0x0], $0xffff  }
0xdd: {  	v22 =	vadd.s32 s14, v0;
	v23 =	vadd.s32 s15, v0;
	s14 =	sadd.s32 $0xFFFFFEBB, s7;
	s15 =	sadd.s32 $0xFFFFFEBC, s7;
	v6 =	vadd.s32 s28, v0;
	s28 =	sadd.s32 $0xFFFFFFF9, s7;
	v24 =	vld.idx.msk [tilespmem:v7+s18+$0x0], $0xffff  }
0xde: {  	v25 =	vadd.s32 s14, v0;
	v26 =	vadd.s32 s15, v0;
	s14 =	sadd.s32 $0xFFFFFEBD, s7;
	s15 =	sadd.s32 $0xFFFFFEBE, s7;
	v7 =	vadd.s32 s28, v0;
	s28 =	sadd.s32 $0xFFFFFFFB, s7;
	v27 =	vld.idx.msk [tilespmem:v10+s18+$0x0], $0xffff  }
0xdf: {  	v28 =	vadd.s32 s14, v0;
	v29 =	vadd.s32 s15, v0;
	s14 =	sadd.s32 $0xFFFFFF5B, s7;
	s15 =	sadd.s32 $0xFFFFFF5C, s7;
	v10 =	vadd.s32 s28, v0;
	s28 =	sadd.s32 $0xFFFFFFFC, s7;
	v30 =	vld.idx.msk [tilespmem:v8+s18+$0x0], $0xffff  }
0xe0: {  	v31 =	vadd.s32 s14, v0;
	v32 =	vadd.s32 s15, v0;
	s14 =	sadd.s32 $0xFFFFFF5D, s7;
	s15 =	sadd.s32 $0xFFFFFF5E, s7;
	v8 =	vadd.s32 s28, v0;
	s28 =	sadd.s32 $0xFFFFFFFD, s7;
	v19 =	vld.idx.msk [tilespmem:v19+s18+$0x0], $0xffff  }
0xe1: {  	s16 =	sadd.s32 $0xFFFFFE17, s7;
	s6 =	sadd.s32 $0x4, s6;
	v33 =	vadd.s32 s14, v0;
	v34 =	vadd.s32 s15, v0;
	v35 =	vld.idx.msk [tilespmem:v9+s18+$0x0], $0xffff;
	v9 =	vadd.s32 s28, v0;
	s14 =	sadd.s32 $0xFFFFFFFE, s7  }
0xe2: {  	v36 =	vadd.s32 s16, v0;
	s16 =	sadd.s32 $0xFFFFFFFA, s7;
	p1 =	slt.u32 s6, $0x9C;
	v14 =	vadd.f32 v15, v14;
	s15 =	sadd.s32 $0xFFFFFE18, s7;
	v37 =	vld.idx.msk [tilespmem:v6+s18+$0x0], $0xffff;
	v6 =	vadd.s32 s14, v0  }
0xe3: {  	v15 =	vand.u32 $0x1FF80, v36;
	v36 =	vadd.s32 s15, v0;
	s14 =	sadd.s32 $0xFFFFFE19, s7;
	s15 =	sadd.s32 $0xFFFFFE1A, s7;
	v38 =	vld.idx.msk [tilespmem:v7+s18+$0x0], $0xffff;
	v7 =	vadd.s32 s16, v0;
	s16 =	sadd.s32 $0xFFFFFFFF, s7  }
0xe4: {  	s5 =	sadd.s32 $0xFFFFFEB7, s7;
	v15 =	vor.u32 v1, v15;
	s28 =	sadd.s32 $0xFFFFFE20, s7;
	v39 =	vadd.s32 s14, v0;
	s14 =	sadd.s32 $0xFFFFFE1F, s7;
	v40 =	vld.idx.msk [tilespmem:v10+s18+$0x0], $0xffff;
	v41 =	vadd.s32 s16, v0  }
0xe5: {  	v44 =	vadd.s32 s28, v0;
	v42 =	vadd.s32 s15, v0;
	s15 =	sadd.s32 $0xFFFFFEB9, s7;
	v43 =	vadd.s32 s14, v0;
	s14 =	sadd.s32 $0xFFFFFEB8, s7;
	s16 =	sadd.s32 $0xFFFFFEBA, s7;
	v45 =	vld.idx.msk [tilespmem:v8+s18+$0x0], $0xffff  }
0xe6: {  	v46 =	vadd.s32 s5, v0;
	s5 =	sadd.s32 $0xFFFFFEBF, s7;
	v48 =	vadd.s32 s15, v0;
	s15 =	sadd.s32 $0xFFFFFF57, s7;
	v47 =	vadd.s32 s14, v0;
	s14 =	sadd.s32 $0xFFFFFEC0, s7;
	v49 =	vld.idx.msk [tilespmem:v9+s18+$0x0], $0xffff  }
0xe7: {  	v51 =	vadd.s32 s5, v0;
	s5 =	sadd.s32 $0xFFFFFF58, s7;
	v50 =	vadd.s32 s16, v0;
	s16 =	sadd.s32 $0xFFFFFF5A, s7;
	v52 =	vadd.s32 s14, v0;
	s14 =	sadd.s32 $0xFFFFFF59, s7;
	v53 =	vld.idx.msk [tilespmem:v6+s18+$0x0], $0xffff  }
0xe8: {  	v54 =	vadd.s32 s15, v0;
	v9 =	vadd.s32 s5, v0;
	s5 =	sadd.s32 $0xFFFFFF5F, s7;
	v6 =	vadd.s32 s14, v0;
	s14 =	sadd.s32 $0xFFFFFF60, s7;
	v55 =	vld.idx.msk [tilespmem:v7+s18+$0x0], $0xffff  }
0xe9: {  	v10 =	vadd.s32 s5, v0;
	v7 =	vadd.s32 s16, v0;
	v8 =	vadd.s32 s14, v0;
	v41 =	vld.idx.msk [tilespmem:v41+s18+$0x0], $0xffff  }
0xea: {  	v5 =	vadd.f32 v12, v5;
	v12 =	vadd.f32 v17, v13;
	v18 =	vld.idx.msk [tilespmem:v18+s18+$0x0], $0xffff  }
0xeb: {  	v17 =	vadd.f32 v24, v21;
	v13 =	vld.idx.msk [tilespmem:v20+s18+$0x0], $0xffff;
	v20 =	vadd.f32 v30, v27  }
0xec: {  	v14 =	vadd.f32 v14, v16;
	v3 =	vadd.f32 v5, v3;
	v21 =	vld.idx.msk [tilespmem:v22+s18+$0x0], $0xffff  }
0xed: {  	v16 =	vadd.f32 v45, v40;
	v22 =	vadd.f32 v53, v49;
	v5 =	vld.idx.msk [tilespmem:v23+s18+$0x0], $0xffff  }
0xee: {  	v24 =	vadd.f32 v37, v35;
	v23 =	vld.idx.msk [tilespmem:v25+s18+$0x0], $0xffff;
	v25 =	vadd.f32 v55, v38  }
0xef: {  	v16 =	vadd.f32 v22, v16;
	v19 =	vadd.f32 v19, v41;
	v26 =	vld.idx.msk [tilespmem:v26+s18+$0x0], $0xffff  }
0xf0: {  	v12 =	vadd.f32 v17, v12;
	v2 =	vadd.f32 v20, v2;
	v22 =	vld.idx.msk [tilespmem:v28+s18+$0x0], $0xffff  }
0xf1: {  	v20 =	vadd.f32 v25, v24;
	v16 =	vadd.f32 v19, v16;
	v17 =	vld.idx.msk [tilespmem:v29+s18+$0x0], $0xffff  }
0xf2: {  	v4 =	vadd.f32 v11, v4;
	v13 =	vadd.f32 v13, v18;
	v18 =	vld.idx.msk [tilespmem:v31+s18+$0x0], $0xffff  }
0xf3: {  	v5 =	vadd.f32 v5, v21;
	v16 =	vadd.f32 v16, v20;
	v19 =	vld.idx.msk [tilespmem:v32+s18+$0x0], $0xffff  }
0xf4: {  	v4 =	vmul.f32 $1.000000010e-01, v4;
	v3 =	vadd.f32 v3, v14;
	v2 =	vadd.f32 v2, v12;
	v20 =	vld.idx.msk [tilespmem:v33+s18+$0x0], $0xffff  }
0xf5: {  	v11 =	vadd.f32 v5, v13;
	v5 =	vadd.f32 v26, v23;
	v13 =	vmul.f32 $1.000000010e-01, v16;
	v12 =	vld.idx.msk [tilespmem:v34+s18+$0x0], $0xffff  }
0xf6: {  	s8 =	sadd.s32 $0x40, s8;
	v3 =	vmul.f32 $1.000000010e-01, v3;
	v2 =	vmul.f32 $1.000000010e-01, v2;
	v14 =	vld.idx.msk [tilespmem:v15+s18+$0x0], $0xffff;
	[tilespmem:s4+$0xFFFFFFE0] =	vst v4  }
0xf7: {  	v15 =	vadd.f32 v17, v22;
	v4 =	vld.idx.msk [tilespmem:v36+s18+$0x0], $0xffff;
	[tilespmem:s8+$0x10] =	vst v13  }
0xf8: {  	v13 =	vld.idx.msk [tilespmem:v39+s18+$0x0], $0xffff;
	[tilespmem:s4+$0xFFFFFFF0] =	vst v3  }
0xf9: {  	v3 =	vadd.f32 v15, v5;
	v5 =	vadd.f32 v19, v18;
	v21 =	vld.idx.msk [tilespmem:v42+s18+$0x0], $0xffff;
	[tilespmem:s4+$0x0] =	vst v2;
	s4 =	smov.u32 s8  }
0xfa: {  	v18 =	vld.idx.msk [tilespmem:v43+s18+$0x0], $0xffff  }
0xfb: {  	v2 =	vadd.f32 v12, v20;
	v19 =	vld.idx.msk [tilespmem:v44+s18+$0x0], $0xffff  }
0xfc: {  	v16 =	vld.idx.msk [tilespmem:v46+s18+$0x0], $0xffff  }
0xfd: {  	v4 =	vadd.f32 v4, v14;
	v2 =	vadd.f32 v2, v5;
	v17 =	vld.idx.msk [tilespmem:v47+s18+$0x0], $0xffff  }
.Ltmp1:
0xfe: {  	v14 =	vld.idx.msk [tilespmem:v48+s18+$0x0], $0xffff;
	(pc) =	sbr.rel @p1 .LBB2_5-.Ltmp1, $4  }
0xff: {  	v12 =	vadd.f32 v21, v13;
	v15 =	vld.idx.msk [tilespmem:v50+s18+$0x0], $0xffff  }
0x100: {  	v5 =	vld.idx.msk [tilespmem:v51+s18+$0x0], $0xffff  }
0x101: {  	v4 =	vadd.f32 v12, v4;
	v18 =	vadd.f32 v19, v18;
	v12 =	vld.idx.msk [tilespmem:v52+s18+$0x0], $0xffff  }
0x102: {  	s7 =	sadd.s32 $0x280, s7;
	v13 =	vld.idx.msk [tilespmem:v54+s18+$0x0], $0xffff  }
0x103: {  	_ =	sdelay $0x3  }
0x104: {  	v9 =	vld.idx.msk [tilespmem:v9+s18+$0x0], $0xffff  }
0x105: {  	v6 =	vld.idx.msk [tilespmem:v6+s18+$0x0], $0xffff  }
0x106: {  	v7 =	vld.idx.msk [tilespmem:v7+s18+$0x0], $0xffff  }
0x107: {  	v10 =	vld.idx.msk [tilespmem:v10+s18+$0x0], $0xffff  }
0x108: {  	v8 =	vld.idx.msk [tilespmem:v8+s18+$0x0], $0xffff  }
0x109: {  	v11 =	vadd.f32 v18, v11  }
0x10a: {  	v16 =	vadd.f32 v17, v16  }
0x10b: {  	v14 =	vadd.f32 v15, v14;
	v4 =	vadd.f32 v11, v4  }
0x10c: {  	v5 =	vadd.f32 v12, v5;
	v9 =	vadd.f32 v9, v13  }
0x10d: {  	v6 =	vadd.f32 v7, v6;
	v7 =	vadd.f32 v8, v10  }
0x10e: {  	v8 =	vadd.f32 v14, v16;
	v3 =	vadd.f32 v5, v3  }
0x10f: {  	v5 =	vadd.f32 v6, v9;
	v2 =	vadd.f32 v7, v2  }
0x110: {  	v3 =	vadd.f32 v3, v8  }
0x111: {  	v4 =	vmul.f32 $1.000000010e-01, v4;
	v2 =	vadd.f32 v2, v5  }
0x112: {  	v3 =	vmul.f32 $1.000000010e-01, v3  }
0x113: {  	[tilespmem:s4+$0xFFFFFFE0] =	vst v4;
	v2 =	vmul.f32 $1.000000010e-01, v2  }
0x114: {  	s0 =	sadd.s32 s0, s3;
	[tilespmem:s4+$0xFFFFFFF0] =	vst v3  }
0x115: {  	s15 =	sadd.s32 $0x10, s0;
	[tilespmem:s4+$0x0] =	vst v2  }
0x116: {  	[hbm4b:s15+s11] =	stream.strided.scatter [tilespmem:s20], [sflag:$0x6], $0xA00, s25, s11, $0x38;
	[tilespmem:$0x1E400] =	vst v63  }
0x117: {  	_ =	swait.ge [sflag:s21], $0x1900  }
0x118: {  	[sflag:s21] =	ssyncset.done $0x0  }
0x119: {  	[sflag:s21] =	ssyncadd.s32 $0xFFFFE700  }
0x11a: {  	_ =	swait.ge [sflag:s21], $0x1900  }
0x11b: {  	[sflag:s21] =	ssyncset.done $0x0  }
0x11c: {  	[sflag:s21] =	ssyncadd.s32 $0xFFFFE700  }
0x11d: {  	_ =	swait.ge [sflag:s21], $0x1900  }
0x11e: {  	[sflag:s21] =	ssyncset.done $0x0  }
0x11f: {  	[sflag:s21] =	ssyncadd.s32 $0xFFFFE700  }
0x120: {  	_ =	swait.ge [sflag:s21], $0x1900  }
0x121: {  	s5 =	simm.s32 @!p0 $0x32;
	[sflag:s21] =	ssyncset.done $0x0  }
0x122: {  	s6 =	simm.s32 @!p0 $0xA400;
	s4 =	sadd.s32 @!p0 $0xA00, s1;
	[sflag:s21] =	ssyncadd.s32 $0xFFFFE700  }
0x123: {  	[tilespmem:s6], [sflag:$0x2] =	stream.indirect.gather @!p0 [hbm4b:s2+s5], $0x80, s4, s5, $0xb8;
	[tilespmem:$0x1E400] =	vst v63  }
0x124: {  	s16 =	simm.s32 $0x1E9;
	s4 =	sadd.s32 @!p0 $0xA80, s1;
	s6 =	simm.s32 @!p0 $0xBD00  }
0x125: {  	[tilespmem:s6], [sflag:$0x2] =	stream.indirect.gather @!p0 [hbm4b:s2+s5], $0x80, s4, s5, $0xb8;
	[tilespmem:$0x1E400] =	vst v63  }
0x126: {  	s28 =	simm.s32 $0x1E0;
	s4 =	sadd.s32 @!p0 $0xB00, s1;
	s6 =	simm.s32 @!p0 $0xD600  }
0x127: {  	[tilespmem:s6], [sflag:$0x2] =	stream.indirect.gather @!p0 [hbm4b:s2+s5], $0x80, s4, s5, $0xb8;
	[tilespmem:$0x1E400] =	vst v63  }
0x128: {  	s7 =	simm.s32 $0x1E2;
	v2 =	vadd.s32 s16, v0;
	s4 =	sadd.s32 @!p0 $0xB80, s1;
	s6 =	simm.s32 @!p0 $0xEF00  }
0x129: {  	v3 =	vadd.s32 s28, v0;
	[tilespmem:s6], [sflag:$0x2] =	stream.indirect.gather @!p0 [hbm4b:s2+s5], $0x80, s4, s5, $0xb8;
	[tilespmem:$0x1E400] =	vst v63  }
0x12a: {  	s8 =	simm.s32 $0x1E4;
	v5 =	vadd.s32 s7, v0;
	_ =	swait.ge [sflag:s22], $0xA00  }
0x12b: {  	s14 =	simm.s32 $0x1E5;
	v6 =	vadd.s32 s8, v0;
	[sflag:s22] =	ssyncset.done $0x0  }
0x12c: {  	v7 =	vadd.s32 s14, v0;
	s15 =	simm.s32 $0x1E6;
	[sflag:s22] =	ssyncadd.s32 $0xFFFFF600  }
0x12d: {  	s16 =	simm.s32 $0x1E7;
	v8 =	vadd.s32 s15, v0;
	v2 =	vld.idx.msk [tilespmem:v2+s26+$0x0], $0xffff  }
0x12e: {  	s28 =	simm.s32 $0x1E3;
	v9 =	vadd.s32 s16, v0;
	v3 =	vld.idx.msk [tilespmem:v3+s26+$0x0], $0xffff  }
0x12f: {  	s7 =	simm.s32 $0x4;
	v10 =	vadd.s32 s28, v0;
	v5 =	vld.idx.msk [tilespmem:v5+s26+$0x0], $0xffff  }
0x130: {  	s8 =	simm.s32 $0x5;
	v12 =	vadd.s32 s7, v0;
	v6 =	vld.idx.msk [tilespmem:v6+s26+$0x0], $0xffff  }
0x131: {  	s14 =	simm.s32 $0x6;
	v13 =	vadd.s32 s8, v0;
	v7 =	vld.idx.msk [tilespmem:v7+s26+$0x0], $0xffff  }
0x132: {  	v14 =	vadd.s32 s14, v0;
	s15 =	simm.s32 $0x7;
	v8 =	vld.idx.msk [tilespmem:v8+s26+$0x0], $0xffff  }
0x133: {  	s16 =	simm.s32 $0xA4;
	v15 =	vadd.s32 s15, v0;
	v9 =	vld.idx.msk [tilespmem:v9+s26+$0x0], $0xffff  }
0x134: {  	s28 =	simm.s32 $0xA5;
	v16 =	vadd.s32 s16, v0;
	v10 =	vld.idx.msk [tilespmem:v10+s26+$0x0], $0xffff  }
0x135: {  	s7 =	simm.s32 $0x144;
	v17 =	vadd.s32 s28, v0;
	v12 =	vld.idx.msk [tilespmem:v12+s26+$0x0], $0xffff  }
0x136: {  	s8 =	simm.s32 $0x145;
	v20 =	vadd.s32 s7, v0;
	v13 =	vld.idx.msk [tilespmem:v13+s26+$0x0], $0xffff  }
0x137: {  	v21 =	vadd.s32 s8, v0;
	s6 =	simm.s32 $0x1E1;
	v14 =	vld.idx.msk [tilespmem:v14+s26+$0x0], $0xffff  }
0x138: {  	s5 =	simm.s32 $0xA6;
	v4 =	vadd.s32 s6, v0;
	v15 =	vld.idx.msk [tilespmem:v15+s26+$0x0], $0xffff  }
0x139: {  	s6 =	simm.s32 $0x1E8;
	v18 =	vadd.s32 s5, v0;
	v22 =	vld.idx.msk [tilespmem:v16+s26+$0x0], $0xffff  }
0x13a: {  	s5 =	simm.s32 $0x2;
	v11 =	vadd.s32 s6, v0;
	v24 =	vld.idx.msk [tilespmem:v17+s26+$0x0], $0xffff  }
0x13b: {  	s6 =	simm.s32 $0xA7;
	v26 =	vadd.s32 s5, v0;
	v20 =	vld.idx.msk [tilespmem:v20+s26+$0x0], $0xffff  }
0x13c: {  	s14 =	simm.s32 $0x146;
	s15 =	simm.s32 $0x0;
	v19 =	vadd.s32 s6, v0;
	v21 =	vld.idx.msk [tilespmem:v21+s26+$0x0], $0xffff  }
0x13d: {  	s16 =	simm.s32 $0x147;
	v23 =	vadd.s32 s15, v0;
	v16 =	vadd.s32 s14, v0;
	v4 =	vld.idx.msk [tilespmem:v4+s26+$0x0], $0xffff  }
0x13e: {  	v23 =	vand.u32 $0x1FF80, v23;
	v17 =	vadd.s32 s16, v0;
	v18 =	vld.idx.msk [tilespmem:v18+s26+$0x0], $0xffff  }
0x13f: {  	v23 =	vor.u32 v1, v23;
	s6 =	simm.s32 $0x3;
	v11 =	vld.idx.msk [tilespmem:v11+s26+$0x0], $0xffff  }
0x140: {  	s28 =	simm.s32 $0x1;
	v27 =	vadd.s32 s6, v0;
	v58 =	vld.idx.msk [tilespmem:v26+s26+$0x0], $0xffff  }
0x141: {  	v25 =	vadd.s32 s28, v0;
	s28 =	simm.s32 $0xA3;
	v19 =	vld.idx.msk [tilespmem:v19+s26+$0x0], $0xffff  }
0x142: {  	s7 =	simm.s32 $0x8;
	v60 =	vadd.s32 s28, v0;
	v28 =	vld.idx.msk [tilespmem:v16+s26+$0x0], $0xffff  }
0x143: {  	s8 =	simm.s32 $0x9;
	v16 =	vadd.s32 s7, v0;
	v29 =	vld.idx.msk [tilespmem:v17+s26+$0x0], $0xffff  }
0x144: {  	s14 =	simm.s32 $0xA0;
	v17 =	vadd.s32 s8, v0;
	v6 =	vadd.f32 v7, v6;
	v7 =	vadd.f32 v9, v8;
	v8 =	vld.idx.msk [tilespmem:v23+s26+$0x0], $0xffff  }
0x145: {  	s15 =	simm.s32 $0xA1;
	v9 =	vadd.s32 s14, v0;
	v59 =	vld.idx.msk [tilespmem:v27+s26+$0x0], $0xffff;
	v3 =	vadd.f32 v4, v3  }
0x146: {  	s16 =	simm.s32 $0xA2;
	v4 =	vadd.f32 v10, v5;
	v5 =	vld.idx.msk [tilespmem:v25+s26+$0x0], $0xffff;
	v10 =	vadd.s32 s15, v0;
	v6 =	vadd.f32 v7, v6  }
0x147: {  	s6 =	simm.s32 $0xA8;
	v7 =	vadd.s32 s16, v0;
	v2 =	vadd.f32 v2, v11;
	v11 =	vadd.f32 v15, v14;
	v15 =	vld.idx.msk [tilespmem:v60+s26+$0x0], $0xffff  }
0x148: {  	s7 =	simm.s32 $0xA9;
	v3 =	vadd.f32 v4, v3;
	v4 =	vadd.s32 s6, v0;
	v18 =	vadd.f32 v19, v18;
	v61 =	vld.idx.msk [tilespmem:v16+s26+$0x0], $0xffff  }
0x149: {  	s8 =	simm.s32 $0x140;
	v2 =	vadd.f32 v2, v6;
	v6 =	vadd.f32 v13, v12;
	v13 =	vld.idx.msk [tilespmem:v17+s26+$0x0], $0xffff;
	v12 =	vadd.s32 s7, v0  }
0x14a: {  	s14 =	simm.s32 $0x141;
	v30 =	vadd.s32 s8, v0;
	v19 =	vadd.f32 v21, v20;
	v16 =	vld.idx.msk [tilespmem:v9+s26+$0x0], $0xffff;
	v20 =	vadd.f32 v29, v28  }
0x14b: {  	s15 =	simm.s32 $0x142;
	v9 =	vadd.s32 s14, v0;
	v23 =	vadd.f32 v59, v58;
	v2 =	vadd.f32 v2, v3;
	v17 =	vld.idx.msk [tilespmem:v10+s26+$0x0], $0xffff  }
0x14c: {  	s16 =	simm.s32 $0x143;
	v11 =	vadd.f32 v11, v6;
	v6 =	vadd.s32 s15, v0;
	v3 =	vadd.f32 v24, v22;
	v14 =	vld.idx.msk [tilespmem:v7+s26+$0x0], $0xffff  }
0x14d: {  	s28 =	simm.s32 $0x148;
	v7 =	vadd.s32 s16, v0;
	v63 =	vadd.f32 v5, v8;
	v62 =	vmul.f32 $1.000000010e-01, v2;
	v5 =	vld.idx.msk [tilespmem:v4+s26+$0x0], $0xffff  }
0x14e: {  	s4 =	simm.s32 $0x1D020;
	s7 =	simm.s32 $0x149;
	v10 =	vadd.s32 s28, v0;
	v3 =	vadd.f32 v18, v3;
	v12 =	vld.idx.msk [tilespmem:v12+s26+$0x0], $0xffff;
	v18 =	vadd.f32 v13, v61  }
0x14f: {  	s8 =	simm.s32 $0x1D020;
	s6 =	simm.s32 $0x0;
	v8 =	vadd.s32 s7, v0;
	s7 =	simm.s32 $0x469;
	v2 =	vadd.f32 v20, v19;
	v4 =	vadd.f32 v23, v63;
	v13 =	vld.idx.msk [tilespmem:v30+s26+$0x0], $0xffff;
	[tilespmem:s4+$0x10] =	vst v62  }
.LBB2_7:
0x150: {  	s5 =	sadd.s32 $0xFFFFFE1B, s7;
	s14 =	sadd.s32 $0xFFFFFE1C, s7;
	s15 =	sadd.s32 $0xFFFFFFF7, s7;
	v19 =	vadd.s32 s7, v0;
	v11 =	vadd.f32 v18, v11;
	v16 =	vadd.f32 v17, v16;
	v17 =	vld.idx.msk [tilespmem:v9+s26+$0x0], $0xffff  }
0x151: {  	v18 =	vadd.s32 s5, v0;
	v20 =	vadd.s32 s14, v0;
	s5 =	sadd.s32 $0xFFFFFE1D, s7;
	s14 =	sadd.s32 $0xFFFFFE1E, s7;
	v9 =	vadd.s32 s15, v0;
	s15 =	sadd.s32 $0xFFFFFFF8, s7;
	v21 =	vld.idx.msk [tilespmem:v6+s26+$0x0], $0xffff  }
0x152: {  	v22 =	vadd.s32 s5, v0;
	v23 =	vadd.s32 s14, v0;
	s5 =	sadd.s32 $0xFFFFFEBB, s7;
	s14 =	sadd.s32 $0xFFFFFEBC, s7;
	v6 =	vadd.s32 s15, v0;
	s15 =	sadd.s32 $0xFFFFFFF9, s7;
	v24 =	vld.idx.msk [tilespmem:v7+s26+$0x0], $0xffff  }
0x153: {  	v25 =	vadd.s32 s5, v0;
	v26 =	vadd.s32 s14, v0;
	s5 =	sadd.s32 $0xFFFFFEBD, s7;
	s14 =	sadd.s32 $0xFFFFFEBE, s7;
	v7 =	vadd.s32 s15, v0;
	s15 =	sadd.s32 $0xFFFFFFFB, s7;
	v27 =	vld.idx.msk [tilespmem:v10+s26+$0x0], $0xffff  }
0x154: {  	v28 =	vadd.s32 s5, v0;
	v29 =	vadd.s32 s14, v0;
	s5 =	sadd.s32 $0xFFFFFF5B, s7;
	s14 =	sadd.s32 $0xFFFFFF5C, s7;
	v10 =	vadd.s32 s15, v0;
	s15 =	sadd.s32 $0xFFFFFFFC, s7;
	v30 =	vld.idx.msk [tilespmem:v8+s26+$0x0], $0xffff  }
0x155: {  	v31 =	vadd.s32 s5, v0;
	v32 =	vadd.s32 s14, v0;
	s5 =	sadd.s32 $0xFFFFFF5D, s7;
	s14 =	sadd.s32 $0xFFFFFF5E, s7;
	v8 =	vadd.s32 s15, v0;
	s15 =	sadd.s32 $0xFFFFFFFD, s7;
	v19 =	vld.idx.msk [tilespmem:v19+s26+$0x0], $0xffff  }
0x156: {  	s16 =	sadd.s32 $0xFFFFFE17, s7;
	s6 =	sadd.s32 $0x4, s6;
	v33 =	vadd.s32 s5, v0;
	v34 =	vadd.s32 s14, v0;
	v35 =	vld.idx.msk [tilespmem:v9+s26+$0x0], $0xffff;
	v9 =	vadd.s32 s15, v0;
	s5 =	sadd.s32 $0xFFFFFFFE, s7  }
0x157: {  	v36 =	vadd.s32 s16, v0;
	p1 =	slt.u32 s6, $0x9C;
	v14 =	vadd.f32 v15, v14;
	s14 =	sadd.s32 $0xFFFFFE18, s7;
	s15 =	sadd.s32 $0xFFFFFFFA, s7;
	v37 =	vld.idx.msk [tilespmem:v6+s26+$0x0], $0xffff;
	v6 =	vadd.s32 s5, v0  }
0x158: {  	v15 =	vand.u32 $0x1FF80, v36;
	v36 =	vadd.s32 s14, v0;
	s5 =	sadd.s32 $0xFFFFFE19, s7;
	s14 =	sadd.s32 $0xFFFFFE1A, s7;
	v38 =	vld.idx.msk [tilespmem:v7+s26+$0x0], $0xffff;
	v7 =	vadd.s32 s15, v0;
	s15 =	sadd.s32 $0xFFFFFFFF, s7  }
0x159: {  	s28 =	sadd.s32 $0xFFFFFEB7, s7;
	s16 =	sadd.s32 $0xFFFFFE20, s7;
	v15 =	vor.u32 v1, v15;
	v39 =	vadd.s32 s5, v0;
	s5 =	sadd.s32 $0xFFFFFE1F, s7;
	v40 =	vld.idx.msk [tilespmem:v10+s26+$0x0], $0xffff;
	v41 =	vadd.s32 s15, v0  }
0x15a: {  	v44 =	vadd.s32 s16, v0;
	v42 =	vadd.s32 s14, v0;
	s14 =	sadd.s32 $0xFFFFFEB9, s7;
	v43 =	vadd.s32 s5, v0;
	s5 =	sadd.s32 $0xFFFFFEB8, s7;
	s15 =	sadd.s32 $0xFFFFFEBA, s7;
	v45 =	vld.idx.msk [tilespmem:v8+s26+$0x0], $0xffff  }
0x15b: {  	v46 =	vadd.s32 s28, v0;
	s16 =	sadd.s32 $0xFFFFFF57, s7;
	v48 =	vadd.s32 s14, v0;
	s14 =	sadd.s32 $0xFFFFFEC0, s7;
	v47 =	vadd.s32 s5, v0;
	s5 =	sadd.s32 $0xFFFFFEBF, s7;
	v49 =	vld.idx.msk [tilespmem:v9+s26+$0x0], $0xffff  }
0x15c: {  	v50 =	vadd.s32 s15, v0;
	v52 =	vadd.s32 s14, v0;
	s14 =	sadd.s32 $0xFFFFFF59, s7;
	s15 =	sadd.s32 $0xFFFFFF5A, s7;
	v51 =	vadd.s32 s5, v0;
	s5 =	sadd.s32 $0xFFFFFF58, s7;
	v53 =	vld.idx.msk [tilespmem:v6+s26+$0x0], $0xffff  }
0x15d: {  	v54 =	vadd.s32 s16, v0;
	v9 =	vadd.s32 s5, v0;
	v6 =	vadd.s32 s14, v0;
	s5 =	sadd.s32 $0xFFFFFF5F, s7;
	s14 =	sadd.s32 $0xFFFFFF60, s7;
	v55 =	vld.idx.msk [tilespmem:v7+s26+$0x0], $0xffff  }
0x15e: {  	v7 =	vadd.s32 s15, v0;
	v10 =	vadd.s32 s5, v0;
	v8 =	vadd.s32 s14, v0;
	v41 =	vld.idx.msk [tilespmem:v41+s26+$0x0], $0xffff  }
0x15f: {  	v5 =	vadd.f32 v12, v5;
	v12 =	vadd.f32 v17, v13;
	v18 =	vld.idx.msk [tilespmem:v18+s26+$0x0], $0xffff  }
0x160: {  	v17 =	vadd.f32 v24, v21;
	v13 =	vld.idx.msk [tilespmem:v20+s26+$0x0], $0xffff;
	v20 =	vadd.f32 v30, v27  }
0x161: {  	v14 =	vadd.f32 v14, v16;
	v3 =	vadd.f32 v5, v3;
	v21 =	vld.idx.msk [tilespmem:v22+s26+$0x0], $0xffff  }
0x162: {  	v16 =	vadd.f32 v45, v40;
	v22 =	vadd.f32 v53, v49;
	v5 =	vld.idx.msk [tilespmem:v23+s26+$0x0], $0xffff  }
0x163: {  	v24 =	vadd.f32 v37, v35;
	v23 =	vld.idx.msk [tilespmem:v25+s26+$0x0], $0xffff;
	v25 =	vadd.f32 v55, v38  }
0x164: {  	v16 =	vadd.f32 v22, v16;
	v19 =	vadd.f32 v19, v41;
	v26 =	vld.idx.msk [tilespmem:v26+s26+$0x0], $0xffff  }
0x165: {  	v12 =	vadd.f32 v17, v12;
	v2 =	vadd.f32 v20, v2;
	v22 =	vld.idx.msk [tilespmem:v28+s26+$0x0], $0xffff  }
0x166: {  	v20 =	vadd.f32 v25, v24;
	v16 =	vadd.f32 v19, v16;
	v17 =	vld.idx.msk [tilespmem:v29+s26+$0x0], $0xffff  }
0x167: {  	v4 =	vadd.f32 v11, v4;
	v13 =	vadd.f32 v13, v18;
	v18 =	vld.idx.msk [tilespmem:v31+s26+$0x0], $0xffff  }
0x168: {  	v5 =	vadd.f32 v5, v21;
	v16 =	vadd.f32 v16, v20;
	v19 =	vld.idx.msk [tilespmem:v32+s26+$0x0], $0xffff  }
0x169: {  	v4 =	vmul.f32 $1.000000010e-01, v4;
	v3 =	vadd.f32 v3, v14;
	v2 =	vadd.f32 v2, v12;
	v20 =	vld.idx.msk [tilespmem:v33+s26+$0x0], $0xffff  }
0x16a: {  	v11 =	vadd.f32 v5, v13;
	v5 =	vadd.f32 v26, v23;
	v13 =	vmul.f32 $1.000000010e-01, v16;
	v12 =	vld.idx.msk [tilespmem:v34+s26+$0x0], $0xffff  }
0x16b: {  	s8 =	sadd.s32 $0x40, s8;
	v3 =	vmul.f32 $1.000000010e-01, v3;
	v2 =	vmul.f32 $1.000000010e-01, v2;
	v14 =	vld.idx.msk [tilespmem:v15+s26+$0x0], $0xffff;
	[tilespmem:s4+$0xFFFFFFE0] =	vst v4  }
0x16c: {  	v15 =	vadd.f32 v17, v22;
	v4 =	vld.idx.msk [tilespmem:v36+s26+$0x0], $0xffff;
	[tilespmem:s8+$0x10] =	vst v13  }
0x16d: {  	v13 =	vld.idx.msk [tilespmem:v39+s26+$0x0], $0xffff;
	[tilespmem:s4+$0xFFFFFFF0] =	vst v3  }
0x16e: {  	v3 =	vadd.f32 v15, v5;
	v5 =	vadd.f32 v19, v18;
	v21 =	vld.idx.msk [tilespmem:v42+s26+$0x0], $0xffff;
	[tilespmem:s4+$0x0] =	vst v2;
	s4 =	smov.u32 s8  }
0x16f: {  	v18 =	vld.idx.msk [tilespmem:v43+s26+$0x0], $0xffff  }
0x170: {  	v2 =	vadd.f32 v12, v20;
	v19 =	vld.idx.msk [tilespmem:v44+s26+$0x0], $0xffff  }
0x171: {  	v16 =	vld.idx.msk [tilespmem:v46+s26+$0x0], $0xffff  }
0x172: {  	v4 =	vadd.f32 v4, v14;
	v2 =	vadd.f32 v2, v5;
	v17 =	vld.idx.msk [tilespmem:v47+s26+$0x0], $0xffff  }
.Ltmp2:
0x173: {  	v14 =	vld.idx.msk [tilespmem:v48+s26+$0x0], $0xffff;
	(pc) =	sbr.rel @p1 .LBB2_7-.Ltmp2, $4  }
0x174: {  	v12 =	vadd.f32 v21, v13;
	v15 =	vld.idx.msk [tilespmem:v50+s26+$0x0], $0xffff  }
0x175: {  	v5 =	vld.idx.msk [tilespmem:v51+s26+$0x0], $0xffff  }
0x176: {  	v4 =	vadd.f32 v12, v4;
	v18 =	vadd.f32 v19, v18;
	v12 =	vld.idx.msk [tilespmem:v52+s26+$0x0], $0xffff  }
0x177: {  	s7 =	sadd.s32 $0x280, s7;
	v13 =	vld.idx.msk [tilespmem:v54+s26+$0x0], $0xffff  }
0x178: {  	_ =	sdelay $0x3  }
0x179: {  	v9 =	vld.idx.msk [tilespmem:v9+s26+$0x0], $0xffff  }
0x17a: {  	v6 =	vld.idx.msk [tilespmem:v6+s26+$0x0], $0xffff  }
0x17b: {  	v7 =	vld.idx.msk [tilespmem:v7+s26+$0x0], $0xffff  }
0x17c: {  	v10 =	vld.idx.msk [tilespmem:v10+s26+$0x0], $0xffff  }
0x17d: {  	v8 =	vld.idx.msk [tilespmem:v8+s26+$0x0], $0xffff  }
0x17e: {  	v11 =	vadd.f32 v18, v11  }
0x17f: {  	v16 =	vadd.f32 v17, v16  }
0x180: {  	v14 =	vadd.f32 v15, v14;
	v4 =	vadd.f32 v11, v4  }
0x181: {  	v5 =	vadd.f32 v12, v5;
	v9 =	vadd.f32 v9, v13  }
0x182: {  	v6 =	vadd.f32 v7, v6;
	v7 =	vadd.f32 v8, v10  }
0x183: {  	v8 =	vadd.f32 v14, v16;
	v3 =	vadd.f32 v5, v3  }
0x184: {  	v5 =	vadd.f32 v6, v9;
	v2 =	vadd.f32 v7, v2  }
0x185: {  	v3 =	vadd.f32 v3, v8  }
0x186: {  	v4 =	vmul.f32 $1.000000010e-01, v4;
	v2 =	vadd.f32 v2, v5  }
0x187: {  	v3 =	vmul.f32 $1.000000010e-01, v3  }
0x188: {  	[tilespmem:s4+$0xFFFFFFE0] =	vst v4;
	v2 =	vmul.f32 $1.000000010e-01, v2  }
0x189: {  	[tilespmem:s4+$0xFFFFFFF0] =	vst v3  }
0x18a: {  	s0 =	sadd.s32 $0x20, s0;
	[tilespmem:s4+$0x0] =	vst v2  }
0x18b: {  	[hbm4b:s0+s11] =	stream.strided.scatter [tilespmem:s17], [sflag:$0x5], $0xA00, s25, s11, $0x38;
	[tilespmem:$0x1E400] =	vst v63  }
0x18c: {  	_ =	swait.ge [sflag:s23], $0x1900  }
0x18d: {  	[sflag:s23] =	ssyncset.done $0x0  }
0x18e: {  	[sflag:s23] =	ssyncadd.s32 $0xFFFFE700  }
0x18f: {  	_ =	swait.ge [sflag:s23], $0x1900  }
0x190: {  	[sflag:s23] =	ssyncset.done $0x0  }
0x191: {  	[sflag:s23] =	ssyncadd.s32 $0xFFFFE700  }
0x192: {  	_ =	swait.ge [sflag:s23], $0x1900  }
0x193: {  	[sflag:s23] =	ssyncset.done $0x0  }
0x194: {  	[sflag:s23] =	ssyncadd.s32 $0xFFFFE700  }
0x195: {  	_ =	swait.ge [sflag:s23], $0x1900  }
0x196: {  	s5 =	simm.s32 @!p0 $0x10800;
	[sflag:s23] =	ssyncset.done $0x0  }
0x197: {  	s4 =	simm.s32 @!p0 $0x32;
	s0 =	sadd.s32 @!p0 $0xC00, s1;
	[sflag:s23] =	ssyncadd.s32 $0xFFFFE700  }
0x198: {  	[tilespmem:s5], [sflag:$0x3] =	stream.indirect.gather @!p0 [hbm4b:s2+s4], $0x80, s0, s4, $0xb8;
	[tilespmem:$0x1E400] =	vst v63  }
0x199: {  	s14 =	simm.s32 $0x1E9;
	s0 =	sadd.s32 @!p0 $0xC80, s1;
	s5 =	simm.s32 @!p0 $0x12100  }
0x19a: {  	[tilespmem:s5], [sflag:$0x3] =	stream.indirect.gather @!p0 [hbm4b:s2+s4], $0x80, s0, s4, $0xb8;
	[tilespmem:$0x1E400] =	vst v63  }
0x19b: {  	s15 =	simm.s32 $0x1E0;
	s0 =	sadd.s32 @!p0 $0xD00, s1;
	s5 =	simm.s32 @!p0 $0x13A00  }
0x19c: {  	[tilespmem:s5], [sflag:$0x3] =	stream.indirect.gather @!p0 [hbm4b:s2+s4], $0x80, s0, s4, $0xb8;
	[tilespmem:$0x1E400] =	vst v63  }
0x19d: {  	s16 =	simm.s32 $0x1E1;
	v2 =	vadd.s32 s14, v0;
	s0 =	sadd.s32 @!p0 $0xD80, s1;
	s1 =	simm.s32 @!p0 $0x15300  }
0x19e: {  	v3 =	vadd.s32 s15, v0;
	[tilespmem:s1], [sflag:$0x3] =	stream.indirect.gather @!p0 [hbm4b:s2+s4], $0x80, s0, s4, $0xb8;
	[tilespmem:$0x1E400] =	vst v63  }
0x19f: {  	s28 =	simm.s32 $0x1E2;
	v4 =	vadd.s32 s16, v0;
	_ =	swait.ge [sflag:s24], $0xA00  }
0x1a0: {  	v5 =	vadd.s32 s28, v0;
	s5 =	simm.s32 $0x1E6;
	[sflag:s24] =	ssyncset.done $0x0  }
0x1a1: {  	s6 =	simm.s32 $0x1E7;
	v8 =	vadd.s32 s5, v0;
	[sflag:s24] =	ssyncadd.s32 $0xFFFFF600  }
0x1a2: {  	s7 =	simm.s32 $0x1E3;
	v9 =	vadd.s32 s6, v0;
	v2 =	vld.idx.msk [tilespmem:v2+s13+$0x0], $0xffff  }
0x1a3: {  	s8 =	simm.s32 $0x1E8;
	v10 =	vadd.s32 s7, v0;
	v3 =	vld.idx.msk [tilespmem:v3+s13+$0x0], $0xffff  }
0x1a4: {  	v11 =	vadd.s32 s8, v0;
	s14 =	simm.s32 $0x4;
	v4 =	vld.idx.msk [tilespmem:v4+s13+$0x0], $0xffff  }
0x1a5: {  	s15 =	simm.s32 $0x5;
	v12 =	vadd.s32 s14, v0;
	v5 =	vld.idx.msk [tilespmem:v5+s13+$0x0], $0xffff  }
0x1a6: {  	s16 =	simm.s32 $0x6;
	v13 =	vadd.s32 s15, v0;
	v8 =	vld.idx.msk [tilespmem:v8+s13+$0x0], $0xffff  }
0x1a7: {  	v14 =	vadd.s32 s16, v0;
	s28 =	simm.s32 $0x7;
	v9 =	vld.idx.msk [tilespmem:v9+s13+$0x0], $0xffff  }
0x1a8: {  	s6 =	simm.s32 $0xA6;
	v15 =	vadd.s32 s28, v0;
	v10 =	vld.idx.msk [tilespmem:v10+s13+$0x0], $0xffff  }
0x1a9: {  	s7 =	simm.s32 $0xA7;
	v18 =	vadd.s32 s6, v0;
	v11 =	vld.idx.msk [tilespmem:v11+s13+$0x0], $0xffff  }
0x1aa: {  	s8 =	simm.s32 $0x144;
	v19 =	vadd.s32 s7, v0;
	v12 =	vld.idx.msk [tilespmem:v12+s13+$0x0], $0xffff  }
0x1ab: {  	v20 =	vadd.s32 s8, v0;
	s5 =	simm.s32 $0xA5;
	v13 =	vld.idx.msk [tilespmem:v13+s13+$0x0], $0xffff  }
0x1ac: {  	s1 =	simm.s32 $0x1E4;
	v17 =	vadd.s32 s5, v0;
	v14 =	vld.idx.msk [tilespmem:v14+s13+$0x0], $0xffff  }
0x1ad: {  	s4 =	simm.s32 $0x1E5;
	v6 =	vadd.s32 s1, v0;
	v15 =	vld.idx.msk [tilespmem:v15+s13+$0x0], $0xffff  }
0x1ae: {  	v7 =	vadd.s32 s4, v0;
	s4 =	simm.s32 $0xA4;
	v18 =	vld.idx.msk [tilespmem:v18+s13+$0x0], $0xffff  }
0x1af: {  	s14 =	simm.s32 $0x145;
	v16 =	vadd.s32 s4, v0;
	v19 =	vld.idx.msk [tilespmem:v19+s13+$0x0], $0xffff  }
0x1b0: {  	s6 =	simm.s32 $0x2;
	v21 =	vadd.s32 s14, v0;
	v20 =	vld.idx.msk [tilespmem:v20+s13+$0x0], $0xffff  }
0x1b1: {  	s7 =	simm.s32 $0x3;
	v26 =	vadd.s32 s6, v0;
	v24 =	vld.idx.msk [tilespmem:v17+s13+$0x0], $0xffff  }
0x1b2: {  	v27 =	vadd.s32 s7, v0;
	s28 =	simm.s32 $0x147;
	v6 =	vld.idx.msk [tilespmem:v6+s13+$0x0], $0xffff  }
0x1b3: {  	s16 =	simm.s32 $0x0;
	s15 =	simm.s32 $0x146;
	v17 =	vadd.s32 s28, v0;
	v7 =	vld.idx.msk [tilespmem:v7+s13+$0x0], $0xffff  }
0x1b4: {  	v23 =	vadd.s32 s16, v0;
	s5 =	simm.s32 $0x1;
	v22 =	vld.idx.msk [tilespmem:v16+s13+$0x0], $0xffff;
	v16 =	vadd.s32 s15, v0  }
0x1b5: {  	v23 =	vand.u32 $0x1FF80, v23;
	v25 =	vadd.s32 s5, v0;
	v21 =	vld.idx.msk [tilespmem:v21+s13+$0x0], $0xffff  }
0x1b6: {  	v23 =	vor.u32 v1, v23;
	s4 =	simm.s32 $0xA3;
	v58 =	vld.idx.msk [tilespmem:v26+s13+$0x0], $0xffff  }
0x1b7: {  	s14 =	simm.s32 $0x9;
	v60 =	vadd.s32 s4, v0;
	v59 =	vld.idx.msk [tilespmem:v27+s13+$0x0], $0xffff  }
0x1b8: {  	s8 =	simm.s32 $0x8;
	v29 =	vld.idx.msk [tilespmem:v17+s13+$0x0], $0xffff;
	v17 =	vadd.s32 s14, v0  }
0x1b9: {  	s16 =	simm.s32 $0xA1;
	v6 =	vadd.f32 v7, v6;
	v7 =	vadd.f32 v9, v8;
	v28 =	vld.idx.msk [tilespmem:v16+s13+$0x0], $0xffff;
	v16 =	vadd.s32 s8, v0  }
0x1ba: {  	s15 =	simm.s32 $0xA0;
	v3 =	vadd.f32 v4, v3;
	v4 =	vadd.f32 v10, v5;
	v5 =	vld.idx.msk [tilespmem:v25+s13+$0x0], $0xffff;
	v10 =	vadd.s32 s16, v0  }
0x1bb: {  	s5 =	simm.s32 $0xA8;
	v2 =	vadd.f32 v2, v11;
	v8 =	vld.idx.msk [tilespmem:v23+s13+$0x0], $0xffff;
	v9 =	vadd.s32 s15, v0;
	v6 =	vadd.f32 v7, v6  }
0x1bc: {  	s28 =	simm.s32 $0xA2;
	v11 =	vadd.f32 v15, v14;
	v15 =	vld.idx.msk [tilespmem:v60+s13+$0x0], $0xffff;
	v3 =	vadd.f32 v4, v3;
	v4 =	vadd.s32 s5, v0  }
0x1bd: {  	s6 =	simm.s32 $0xA9;
	v7 =	vadd.s32 s28, v0;
	v2 =	vadd.f32 v2, v6;
	v6 =	vadd.f32 v13, v12;
	v13 =	vld.idx.msk [tilespmem:v17+s13+$0x0], $0xffff  }
0x1be: {  	s7 =	simm.s32 $0x140;
	v18 =	vadd.f32 v19, v18;
	v12 =	vadd.s32 s6, v0;
	v61 =	vld.idx.msk [tilespmem:v16+s13+$0x0], $0xffff  }
0x1bf: {  	v30 =	vadd.s32 s7, v0;
	v19 =	vadd.f32 v21, v20;
	v23 =	vadd.f32 v59, v58;
	s8 =	simm.s32 $0x141;
	v17 =	vld.idx.msk [tilespmem:v10+s13+$0x0], $0xffff  }
0x1c0: {  	s14 =	simm.s32 $0x142;
	v63 =	vadd.f32 v5, v8;
	v16 =	vld.idx.msk [tilespmem:v9+s13+$0x0], $0xffff;
	v9 =	vadd.s32 s8, v0;
	v2 =	vadd.f32 v2, v3  }
0x1c1: {  	s15 =	simm.s32 $0x143;
	v5 =	vld.idx.msk [tilespmem:v4+s13+$0x0], $0xffff;
	v11 =	vadd.f32 v11, v6;
	v6 =	vadd.s32 s14, v0;
	v3 =	vadd.f32 v24, v22  }
0x1c2: {  	s16 =	simm.s32 $0x148;
	v20 =	vadd.f32 v29, v28;
	v14 =	vld.idx.msk [tilespmem:v7+s13+$0x0], $0xffff;
	v7 =	vadd.s32 s15, v0;
	v62 =	vmul.f32 $1.000000010e-01, v2  }
0x1c3: {  	s0 =	simm.s32 $0x1DA20;
	s28 =	simm.s32 $0x149;
	v10 =	vadd.s32 s16, v0;
	v3 =	vadd.f32 v18, v3;
	v12 =	vld.idx.msk [tilespmem:v12+s13+$0x0], $0xffff;
	v18 =	vadd.f32 v13, v61  }
0x1c4: {  	s1 =	simm.s32 $0x0;
	s4 =	simm.s32 $0x469;
	s6 =	simm.s32 $0x1DA20;
	v8 =	vadd.s32 s28, v0;
	v4 =	vadd.f32 v23, v63;
	v2 =	vadd.f32 v20, v19;
	[tilespmem:s0+$0x10] =	vst v62;
	v13 =	vld.idx.msk [tilespmem:v30+s13+$0x0], $0xffff  }
.LBB2_9:
0x1c5: {  	s5 =	sadd.s32 $0xFFFFFE1B, s4;
	s7 =	sadd.s32 $0xFFFFFE1C, s4;
	s8 =	sadd.s32 $0xFFFFFFF7, s4;
	v19 =	vadd.s32 s4, v0;
	v11 =	vadd.f32 v18, v11;
	v16 =	vadd.f32 v17, v16;
	v17 =	vld.idx.msk [tilespmem:v9+s13+$0x0], $0xffff  }
0x1c6: {  	v18 =	vadd.s32 s5, v0;
	v20 =	vadd.s32 s7, v0;
	s5 =	sadd.s32 $0xFFFFFE1D, s4;
	s7 =	sadd.s32 $0xFFFFFE1E, s4;
	v9 =	vadd.s32 s8, v0;
	s8 =	sadd.s32 $0xFFFFFFF8, s4;
	v21 =	vld.idx.msk [tilespmem:v6+s13+$0x0], $0xffff  }
0x1c7: {  	v22 =	vadd.s32 s5, v0;
	v23 =	vadd.s32 s7, v0;
	s5 =	sadd.s32 $0xFFFFFEBB, s4;
	s7 =	sadd.s32 $0xFFFFFEBC, s4;
	v6 =	vadd.s32 s8, v0;
	s8 =	sadd.s32 $0xFFFFFFF9, s4;
	v24 =	vld.idx.msk [tilespmem:v7+s13+$0x0], $0xffff  }
0x1c8: {  	v25 =	vadd.s32 s5, v0;
	v26 =	vadd.s32 s7, v0;
	s5 =	sadd.s32 $0xFFFFFEBD, s4;
	s7 =	sadd.s32 $0xFFFFFEBE, s4;
	v7 =	vadd.s32 s8, v0;
	s8 =	sadd.s32 $0xFFFFFFFB, s4;
	v27 =	vld.idx.msk [tilespmem:v10+s13+$0x0], $0xffff  }
0x1c9: {  	v28 =	vadd.s32 s5, v0;
	v29 =	vadd.s32 s7, v0;
	s5 =	sadd.s32 $0xFFFFFF5B, s4;
	s7 =	sadd.s32 $0xFFFFFF5C, s4;
	v10 =	vadd.s32 s8, v0;
	s8 =	sadd.s32 $0xFFFFFFFC, s4;
	v30 =	vld.idx.msk [tilespmem:v8+s13+$0x0], $0xffff  }
0x1ca: {  	v31 =	vadd.s32 s5, v0;
	v32 =	vadd.s32 s7, v0;
	s5 =	sadd.s32 $0xFFFFFF5D, s4;
	s7 =	sadd.s32 $0xFFFFFF5E, s4;
	v8 =	vadd.s32 s8, v0;
	s8 =	sadd.s32 $0xFFFFFFFD, s4;
	v19 =	vld.idx.msk [tilespmem:v19+s13+$0x0], $0xffff  }
0x1cb: {  	s14 =	sadd.s32 $0xFFFFFE17, s4;
	s1 =	sadd.s32 $0x4, s1;
	v33 =	vadd.s32 s5, v0;
	v34 =	vadd.s32 s7, v0;
	v35 =	vld.idx.msk [tilespmem:v9+s13+$0x0], $0xffff;
	v9 =	vadd.s32 s8, v0;
	s5 =	sadd.s32 $0xFFFFFFFE, s4  }
0x1cc: {  	v36 =	vadd.s32 s14, v0;
	p0 =	slt.u32 s1, $0x9C;
	v14 =	vadd.f32 v15, v14;
	s7 =	sadd.s32 $0xFFFFFE18, s4;
	s8 =	sadd.s32 $0xFFFFFFFA, s4;
	v37 =	vld.idx.msk [tilespmem:v6+s13+$0x0], $0xffff;
	v6 =	vadd.s32 s5, v0  }
0x1cd: {  	v15 =	vand.u32 $0x1FF80, v36;
	v36 =	vadd.s32 s7, v0;
	s5 =	sadd.s32 $0xFFFFFE19, s4;
	s7 =	sadd.s32 $0xFFFFFE1A, s4;
	v38 =	vld.idx.msk [tilespmem:v7+s13+$0x0], $0xffff;
	v7 =	vadd.s32 s8, v0;
	s8 =	sadd.s32 $0xFFFFFFFF, s4  }
0x1ce: {  	s15 =	sadd.s32 $0xFFFFFEB7, s4;
	s14 =	sadd.s32 $0xFFFFFE20, s4;
	v15 =	vor.u32 v1, v15;
	v39 =	vadd.s32 s5, v0;
	s5 =	sadd.s32 $0xFFFFFE1F, s4;
	v40 =	vld.idx.msk [tilespmem:v10+s13+$0x0], $0xffff;
	v41 =	vadd.s32 s8, v0  }
0x1cf: {  	v44 =	vadd.s32 s14, v0;
	v42 =	vadd.s32 s7, v0;
	s7 =	sadd.s32 $0xFFFFFEB9, s4;
	v43 =	vadd.s32 s5, v0;
	s5 =	sadd.s32 $0xFFFFFEB8, s4;
	s8 =	sadd.s32 $0xFFFFFEBA, s4;
	v45 =	vld.idx.msk [tilespmem:v8+s13+$0x0], $0xffff  }
0x1d0: {  	v46 =	vadd.s32 s15, v0;
	s14 =	sadd.s32 $0xFFFFFF57, s4;
	v48 =	vadd.s32 s7, v0;
	s7 =	sadd.s32 $0xFFFFFEC0, s4;
	v47 =	vadd.s32 s5, v0;
	s5 =	sadd.s32 $0xFFFFFEBF, s4;
	v49 =	vld.idx.msk [tilespmem:v9+s13+$0x0], $0xffff  }
0x1d1: {  	v50 =	vadd.s32 s8, v0;
	v52 =	vadd.s32 s7, v0;
	s7 =	sadd.s32 $0xFFFFFF59, s4;
	s8 =	sadd.s32 $0xFFFFFF5A, s4;
	v51 =	vadd.s32 s5, v0;
	s5 =	sadd.s32 $0xFFFFFF58, s4;
	v53 =	vld.idx.msk [tilespmem:v6+s13+$0x0], $0xffff  }
0x1d2: {  	v54 =	vadd.s32 s14, v0;
	v9 =	vadd.s32 s5, v0;
	v6 =	vadd.s32 s7, v0;
	s5 =	sadd.s32 $0xFFFFFF5F, s4;
	s7 =	sadd.s32 $0xFFFFFF60, s4;
	v55 =	vld.idx.msk [tilespmem:v7+s13+$0x0], $0xffff  }
0x1d3: {  	v7 =	vadd.s32 s8, v0;
	v10 =	vadd.s32 s5, v0;
	v8 =	vadd.s32 s7, v0;
	v41 =	vld.idx.msk [tilespmem:v41+s13+$0x0], $0xffff  }
0x1d4: {  	v5 =	vadd.f32 v12, v5;
	v12 =	vadd.f32 v17, v13;
	v18 =	vld.idx.msk [tilespmem:v18+s13+$0x0], $0xffff  }
0x1d5: {  	v17 =	vadd.f32 v24, v21;
	v13 =	vld.idx.msk [tilespmem:v20+s13+$0x0], $0xffff;
	v20 =	vadd.f32 v30, v27  }
0x1d6: {  	v14 =	vadd.f32 v14, v16;
	v3 =	vadd.f32 v5, v3;
	v21 =	vld.idx.msk [tilespmem:v22+s13+$0x0], $0xffff  }
0x1d7: {  	v16 =	vadd.f32 v45, v40;
	v22 =	vadd.f32 v53, v49;
	v5 =	vld.idx.msk [tilespmem:v23+s13+$0x0], $0xffff  }
0x1d8: {  	v24 =	vadd.f32 v37, v35;
	v23 =	vld.idx.msk [tilespmem:v25+s13+$0x0], $0xffff;
	v25 =	vadd.f32 v55, v38  }
0x1d9: {  	v16 =	vadd.f32 v22, v16;
	v19 =	vadd.f32 v19, v41;
	v26 =	vld.idx.msk [tilespmem:v26+s13+$0x0], $0xffff  }
0x1da: {  	v12 =	vadd.f32 v17, v12;
	v2 =	vadd.f32 v20, v2;
	v22 =	vld.idx.msk [tilespmem:v28+s13+$0x0], $0xffff  }
0x1db: {  	v20 =	vadd.f32 v25, v24;
	v16 =	vadd.f32 v19, v16;
	v17 =	vld.idx.msk [tilespmem:v29+s13+$0x0], $0xffff  }
0x1dc: {  	v4 =	vadd.f32 v11, v4;
	v13 =	vadd.f32 v13, v18;
	v18 =	vld.idx.msk [tilespmem:v31+s13+$0x0], $0xffff  }
0x1dd: {  	v5 =	vadd.f32 v5, v21;
	v16 =	vadd.f32 v16, v20;
	v19 =	vld.idx.msk [tilespmem:v32+s13+$0x0], $0xffff  }
0x1de: {  	v4 =	vmul.f32 $1.000000010e-01, v4;
	v3 =	vadd.f32 v3, v14;
	v2 =	vadd.f32 v2, v12;
	v20 =	vld.idx.msk [tilespmem:v33+s13+$0x0], $0xffff  }
0x1df: {  	v11 =	vadd.f32 v5, v13;
	v5 =	vadd.f32 v26, v23;
	v13 =	vmul.f32 $1.000000010e-01, v16;
	v12 =	vld.idx.msk [tilespmem:v34+s13+$0x0], $0xffff  }
0x1e0: {  	s6 =	sadd.s32 $0x40, s6;
	v3 =	vmul.f32 $1.000000010e-01, v3;
	v2 =	vmul.f32 $1.000000010e-01, v2;
	v14 =	vld.idx.msk [tilespmem:v15+s13+$0x0], $0xffff;
	[tilespmem:s0+$0xFFFFFFE0] =	vst v4  }
0x1e1: {  	v15 =	vadd.f32 v17, v22;
	v4 =	vld.idx.msk [tilespmem:v36+s13+$0x0], $0xffff;
	[tilespmem:s6+$0x10] =	vst v13  }
0x1e2: {  	v13 =	vld.idx.msk [tilespmem:v39+s13+$0x0], $0xffff;
	[tilespmem:s0+$0xFFFFFFF0] =	vst v3  }
0x1e3: {  	v3 =	vadd.f32 v15, v5;
	v5 =	vadd.f32 v19, v18;
	v21 =	vld.idx.msk [tilespmem:v42+s13+$0x0], $0xffff;
	[tilespmem:s0+$0x0] =	vst v2;
	s0 =	smov.u32 s6  }
0x1e4: {  	v18 =	vld.idx.msk [tilespmem:v43+s13+$0x0], $0xffff  }
0x1e5: {  	v2 =	vadd.f32 v12, v20;
	v19 =	vld.idx.msk [tilespmem:v44+s13+$0x0], $0xffff  }
0x1e6: {  	v16 =	vld.idx.msk [tilespmem:v46+s13+$0x0], $0xffff  }
0x1e7: {  	v4 =	vadd.f32 v4, v14;
	v2 =	vadd.f32 v2, v5;
	v17 =	vld.idx.msk [tilespmem:v47+s13+$0x0], $0xffff  }
.Ltmp3:
0x1e8: {  	v14 =	vld.idx.msk [tilespmem:v48+s13+$0x0], $0xffff;
	(pc) =	sbr.rel @p0 .LBB2_9-.Ltmp3, $4  }
0x1e9: {  	v12 =	vadd.f32 v21, v13;
	v15 =	vld.idx.msk [tilespmem:v50+s13+$0x0], $0xffff  }
0x1ea: {  	v5 =	vld.idx.msk [tilespmem:v51+s13+$0x0], $0xffff  }
0x1eb: {  	v4 =	vadd.f32 v12, v4;
	v18 =	vadd.f32 v19, v18;
	v12 =	vld.idx.msk [tilespmem:v52+s13+$0x0], $0xffff  }
0x1ec: {  	s4 =	sadd.s32 $0x280, s4;
	v13 =	vld.idx.msk [tilespmem:v54+s13+$0x0], $0xffff  }
0x1ed: {  	_ =	sdelay $0x3  }
0x1ee: {  	v9 =	vld.idx.msk [tilespmem:v9+s13+$0x0], $0xffff  }
0x1ef: {  	v6 =	vld.idx.msk [tilespmem:v6+s13+$0x0], $0xffff  }
0x1f0: {  	v7 =	vld.idx.msk [tilespmem:v7+s13+$0x0], $0xffff  }
0x1f1: {  	v10 =	vld.idx.msk [tilespmem:v10+s13+$0x0], $0xffff  }
0x1f2: {  	v8 =	vld.idx.msk [tilespmem:v8+s13+$0x0], $0xffff  }
0x1f3: {  	v11 =	vadd.f32 v18, v11  }
0x1f4: {  	v16 =	vadd.f32 v17, v16  }
0x1f5: {  	v14 =	vadd.f32 v15, v14;
	v4 =	vadd.f32 v11, v4  }
0x1f6: {  	v5 =	vadd.f32 v12, v5;
	v9 =	vadd.f32 v9, v13  }
0x1f7: {  	v6 =	vadd.f32 v7, v6;
	v61 =	vadd.f32 v8, v10  }
0x1f8: {  	v62 =	vadd.f32 v14, v16;
	v3 =	vadd.f32 v5, v3  }
0x1f9: {  	v63 =	vadd.f32 v6, v9;
	v2 =	vadd.f32 v61, v2  }
0x1fa: {  	s29 =	sadd.s32 $0x1, s29;
	v3 =	vadd.f32 v3, v62  }
0x1fb: {  	s1 =	sshll.u32 s30, $0x7;
	p0 =	sne.s32 s29, $0x8;
	v4 =	vmul.f32 $1.000000010e-01, v4;
	v2 =	vadd.f32 v2, v63  }
.Ltmp4:
0x1fc: {  	s1 =	sand.u32 $0x380, s1;
	v3 =	vmul.f32 $1.000000010e-01, v3;
	(pc) =	sbr.rel @p0 .LBB2_2-.Ltmp4, $4  }
0x1fd: {  	s1 =	sor.u32 s1, s31;
	[tilespmem:s0+$0xFFFFFFE0] =	vst v4;
	v2 =	vmul.f32 $1.000000010e-01, v2  }
0x1fe: {  	s1 =	sshrl.u32 s1, $0x3;
	[tilespmem:s0+$0xFFFFFFF0] =	vst v3  }
0x1ff: {  	s31 =	sadd.s32 s3, s1;
	[tilespmem:s0+$0x0] =	vst v2  }
0x200: {  	[hbm4b:s31+s11] =	stream.strided.scatter [tilespmem:s20], [sflag:$0x6], $0xA00, s25, s11, $0x38;
	[tilespmem:$0x1E400] =	vst v63  }
0x201: {  	_ =	swait.ge [sflag:s22], $0xA00  }
0x202: {  	[sflag:s22] =	ssyncset.done $0x0  }
0x203: {  	[sflag:s22] =	ssyncadd.s32 $0xFFFFF600  }
0x204: {  	_ =	swait.ge [sflag:s24], $0xA00  }
0x205: {  	s1 =	rddreg [dreg:$0x7]  }
0x206: {  	s0 =	rddreg [dreg:$0x6];
	s1 =	sadd.s32 $0x1, s1  }
0x207: {  	p0 =	sne.s32 s1, s0  }
.Ltmp5:
0x208: {  	_ = 	snop;
	(pc) =	sbr.rel @p0 .LBB2_1-.Ltmp5, $3  }
0x209: {  	_ =	sdelay $0x1  }
0x20a: {  	[sflag:s24] =	ssyncset.done $0x0  }
0x20b: {  	[sflag:s24] =	ssyncadd.s32 $0xFFFFF600  }
0x20c: {  	_ =	sfence.sel $0x180000  }
0x20d: {  	[bflag:$0x0] =	sbarrier.arrive $0xFFFF  }
0x20e: {  	_ =	strace $0x90000047  }
0x20f: {  	s0 =	stileid.u32;
	[bflag:$0x2] =	sbarrier.arrive $0xFFFF  }
0x210: {  	p0 =	sne.s32 s0, $0x0;
	s0 =	rddreg [dreg:$0x3]  }
0x211: {  	s0 =	sadd.s32 @!p0 $0x100000, s0  }
0x212: {  	[sflag:s0] =	ssyncadd.tile.s32 @!p0 $0x1;
	_ =	shalt  }
.Lfunc_end2:
_tile_overlayer_lowered:
.L_overlay_start_2:
0x213: {  	(tag) =	ssettag $0x2  }
0x214: {  	s0 =	rddreg [dreg:$0x0];
	s2 =	stileid.u32  }
0x215: {  	s1 =	rddreg [dreg:$0x1];
	p0 =	sne.s32 s2, $0x0  }
0x216: {  	s3 =	rddreg [dreg:$0x2];
	[bflag:$0x3] =	sbarrier.arrive $0xFFFF;
	s2 =	simm.s32 @!p0 $0x1C07  }
0x217: {  	[timem:s3], [sflag:s2] =	dma.local @!p0 [hbm:s0], s1  }
0x218: {  	s0 =	simm.s32 @!p0 $0x7  }
0x219: {  	_ =	swait.ge @!p0 [sflag:s0], s1  }
0x21a: {  	s1 =	ssub.s32 @!p0 $0x0, s1;
	[sflag:s0] =	ssyncset.done @!p0 $0x0  }
0x21b: {  	[sflag:s0] =	ssyncadd.s32 @!p0 s1  }
0x21c: {  	[bflag:$0x3] =	sbarrier.arrive $0xFFFF  }
0x21d: {  	_ =	shalt  }

</sc_bundles>
